<compile_context>
chip_gen: v7x
topology: tpu7x:2x2x1
jax: 0.10.2.dev20260603
libtpu: 0.0.44.dev20260713+nightly
codegen_flags: <defaults>
</compile_context>

<pallas_src>
import functools

import jax
import jax.numpy as jnp
from jax import lax
from jax.experimental import pallas as pl
from jax.experimental.pallas import tpu as pltpu
from jax.experimental.pallas import tpu_sc as plsc

_EMBED = 128
_CHUNK = 256
_NBUF = 3
_YLOAD = 64


def kernel(author_idx, publisher_idx, year_idx, W_author, W_year, W_publisher):
    batch = author_idx.shape[0]
    n_year = W_year.shape[0]
    info = plsc.get_sparse_core_info()
    num_cores = info.num_cores
    nw = num_cores * info.num_subcores
    b_per_w = batch // nw
    n_chunks = b_per_w // _CHUNK

    mesh = plsc.VectorSubcoreMesh(core_axis_name="c", subcore_axis_name="s")

    @functools.partial(
        pl.kernel,
        out_type=jax.ShapeDtypeStruct((batch, 3 * _EMBED), jnp.float32),
        mesh=mesh,
        scratch_types=[
            pltpu.VMEM((3 * b_per_w,), jnp.int32),
            pltpu.VMEM((_NBUF, _CHUNK, _EMBED), jnp.float32),
            pltpu.VMEM_SHARED((n_year, _EMBED), jnp.float32),
        ]
        + [pltpu.SemaphoreType.DMA] * (2 * _NBUF + 3),
    )
    def _gather3(a_idx, p_idx, y_idx, wa, wy, wp, out, idx_v, rows_v, yspm, *sems):
        gsems = sems[:_NBUF]
        wsems = sems[_NBUF : 2 * _NBUF]
        isems = sems[2 * _NBUF :]
        sid = lax.axis_index("s")
        wid = sid * num_cores + lax.axis_index("c")
        base = wid * b_per_w

        idx_copies = [
            pltpu.async_copy(
                src.at[pl.ds(base, b_per_w)],
                idx_v.at[pl.ds(r * b_per_w, b_per_w)],
                isems[r],
            )
            for r, src in enumerate((a_idx, p_idx, y_idx))
        ]

        yoff = jnp.minimum(sid * _YLOAD, n_year - _YLOAD)
        pltpu.sync_copy(
            wy.at[pl.ds(yoff, _YLOAD)], yspm.at[pl.ds(yoff, _YLOAD)]
        )

        tables = (wa, wp, yspm)
        cols = (0, 2 * _EMBED, _EMBED)
        tasks = [(r, j, cols[r]) for r in range(3) for j in range(n_chunks)]
        T = len(tasks)
        first_year = 2 * n_chunks

        def start_gather(t):
            r, j, _ = tasks[t]
            b = t % _NBUF
            return pltpu.async_copy(
                tables[r].at[idx_v.at[pl.ds(r * b_per_w + j * _CHUNK, _CHUNK)]],
                rows_v.at[b],
                gsems[b],
            )

        def start_write(t):
            r, j, col = tasks[t]
            b = t % _NBUF
            return pltpu.async_copy(
                rows_v.at[b],
                out.at[pl.ds(base + j * _CHUNK, _CHUNK), pl.ds(col, _EMBED)],
                wsems[b],
            )

        def pre_gather(u):
            if u % n_chunks == 0:
                idx_copies[u // n_chunks].wait()
            if u == first_year:
                plsc.subcore_barrier()

        gcp, wcp = {}, {}
        for t in range(min(_NBUF - 1, T)):
            pre_gather(t)
            gcp[t] = start_gather(t)
        for t in range(T):
            gcp[t].wait()
            wcp[t] = start_write(t)
            u = t + _NBUF - 1
            if u < T:
                if u - _NBUF >= 0:
                    wcp[u - _NBUF].wait()
                pre_gather(u)
                gcp[u] = start_gather(u)
        for t in range(max(0, T - _NBUF), T):
            wcp[t].wait()

    return _gather3(author_idx, publisher_idx, year_idx, W_author, W_year, W_publisher)

# --- scband reference (transcript-rebuilt; emitter-appended) ---
"""Pipeline reference for scband-item-56977036148811 (READ-ONLY COPY).

The authoritative reference and input builder live on the scoring server;
editing this copy changes nothing except your own understanding.
"""

import jax, jax.numpy as jnp
import numpy as np

NUM_AUTHOR = 1000000
NUM_YEAR = 1000
NUM_PUBLISHER = 100000
EMBED_DIM = 128
BATCH = 16384


def setup_inputs(seed: int = 0) -> dict:
    key = jax.random.key(seed)
    k1, k2, k3, k4, k5, k6 = jax.random.split(key, 6)
    author_idx = jax.random.randint(k1, (BATCH,), 0, NUM_AUTHOR, dtype=jnp.int64 if jax.config.jax_enable_x64 else jnp.int32)
    publisher_idx = jax.random.randint(k2, (BATCH,), 0, NUM_PUBLISHER, dtype=jnp.int64 if jax.config.jax_enable_x64 else jnp.int32)
    year_idx = jax.random.randint(k3, (BATCH,), 0, NUM_YEAR, dtype=jnp.int64 if jax.config.jax_enable_x64 else jnp.int32)
    # learned parameters: embedding tables (init ~ N(0,1) like torch.nn.Embedding)
    W_author = jax.random.normal(k4, (NUM_AUTHOR, EMBED_DIM), dtype=jnp.float32)
    W_year = jax.random.normal(k5, (NUM_YEAR, EMBED_DIM), dtype=jnp.float32)
    W_publisher = jax.random.normal(k6, (NUM_PUBLISHER, EMBED_DIM), dtype=jnp.float32)
    return {
        "author_idx": author_idx,
        "publisher_idx": publisher_idx,
        "year_idx": year_idx,
        "W_author": W_author,
        "W_year": W_year,
        "W_publisher": W_publisher,
    }


def reference(author_idx, publisher_idx, year_idx, W_author, W_year, W_publisher):
    author_emb = jnp.take(W_author, author_idx, axis=0)
    year_emb = jnp.take(W_year, year_idx, axis=0)
    publisher_emb = jnp.take(W_publisher, publisher_idx, axis=0)
    return jnp.concatenate((author_emb, year_emb, publisher_emb), axis=1)

if __name__ == "__main__":
    import jax
    _d = setup_inputs()
    print(jax.jit(kernel)(*tuple(_d.values())))

</pallas_src>

<mosaic_0001>
#map = affine_map<(d0, d1) -> (0)>
#map1 = affine_map<(d0, d1) -> (0, 0)>
module attributes {stable_mosaic.version = 14 : i64} {
  func.func @_gather3(%arg0: i32, %arg1: i32, %arg2: memref<16384xi32, #tpu.memory_space<hbm>>, %arg3: memref<16384xi32, #tpu.memory_space<hbm>>, %arg4: memref<16384xi32, #tpu.memory_space<hbm>>, %arg5: memref<1000000x128xf32, #tpu.memory_space<hbm>>, %arg6: memref<1000x128xf32, #tpu.memory_space<hbm>>, %arg7: memref<100000x128xf32, #tpu.memory_space<hbm>>, %arg8: memref<16384x384xf32, #tpu.memory_space<hbm>>, %arg9: memref<1536xi32, #tpu.memory_space<vmem>>, %arg10: memref<3x256x128xf32, #tpu.memory_space<vmem>>, %arg11: memref<1000x128xf32, #tpu.memory_space<vmem_shared>>, %arg12: memref<!tpu.dma_semaphore, #tpu.memory_space<semaphore_mem>>, %arg13: memref<!tpu.dma_semaphore, #tpu.memory_space<semaphore_mem>>, %arg14: memref<!tpu.dma_semaphore, #tpu.memory_space<semaphore_mem>>, %arg15: memref<!tpu.dma_semaphore, #tpu.memory_space<semaphore_mem>>, %arg16: memref<!tpu.dma_semaphore, #tpu.memory_space<semaphore_mem>>, %arg17: memref<!tpu.dma_semaphore, #tpu.memory_space<semaphore_mem>>, %arg18: memref<!tpu.dma_semaphore, #tpu.memory_space<semaphore_mem>>, %arg19: memref<!tpu.dma_semaphore, #tpu.memory_space<semaphore_mem>>, %arg20: memref<!tpu.dma_semaphore, #tpu.memory_space<semaphore_mem>>) attributes {dimension_semantics = [#tpu.dimension_semantics<core_parallel>, #tpu.dimension_semantics<subcore_parallel>], iteration_bounds = array<i64: 2, 16>, scalar_prefetch = 0 : i64, scratch_operands = 12 : i64, tpu.core_type = #tpu.core_type<sc_vector_subcore>, window_params = [{transform_indices = #map}, {transform_indices = #map}, {transform_indices = #map}, {transform_indices = #map1}, {transform_indices = #map1}, {transform_indices = #map1}, {transform_indices = #map1}]} {
    %mul3A = arith.constant 2 : i32
    %mul3A_0 = arith.muli %arg1, %mul3A : i32
    %add3A = arith.addi %mul3A_0, %arg0 : i32
    %mul3A_1 = arith.constant 512 : i32
    %mul3A_2 = arith.muli %add3A, %mul3A_1 : i32
    %dma_start3A = arith.constant 0 : i32
    %dma_start3A_3 = tpu.memref_slice %arg9[%dma_start3A] : memref<1536xi32, #tpu.memory_space<vmem>> -> memref<512xi32, #tpu.memory_space<vmem>>
    %dma_start3A_4 = tpu.memref_slice %arg2[%mul3A_2] : memref<16384xi32, #tpu.memory_space<hbm>> -> memref<512xi32, #tpu.memory_space<hbm>>
    %dma_start3A_5 = arith.constant 0 : i32
    %dma_start3A_6 = tpu.memref_slice %arg9[%dma_start3A_5] : memref<1536xi32, #tpu.memory_space<vmem>> -> memref<512xi32, #tpu.memory_space<vmem>>
    %dma_start3A_7 = tpu.memref_slice %arg2[%mul3A_2] : memref<16384xi32, #tpu.memory_space<hbm>> -> memref<512xi32, #tpu.memory_space<hbm>>
    tpu.enqueue_dma source(%dma_start3A_7 : memref<512xi32, #tpu.memory_space<hbm>>) target(%dma_start3A_6 : memref<512xi32, #tpu.memory_space<vmem>>) target_semaphore(%arg18 : memref<!tpu.dma_semaphore, #tpu.memory_space<semaphore_mem>>)
    %dma_start3A_8 = arith.constant 512 : i32
    %dma_start3A_9 = tpu.memref_slice %arg9[%dma_start3A_8] : memref<1536xi32, #tpu.memory_space<vmem>> -> memref<512xi32, #tpu.memory_space<vmem>>
    %dma_start3A_10 = tpu.memref_slice %arg3[%mul3A_2] : memref<16384xi32, #tpu.memory_space<hbm>> -> memref<512xi32, #tpu.memory_space<hbm>>
    %dma_start3A_11 = arith.constant 512 : i32
    %dma_start3A_12 = tpu.memref_slice %arg9[%dma_start3A_11] : memref<1536xi32, #tpu.memory_space<vmem>> -> memref<512xi32, #tpu.memory_space<vmem>>
    %dma_start3A_13 = tpu.memref_slice %arg3[%mul3A_2] : memref<16384xi32, #tpu.memory_space<hbm>> -> memref<512xi32, #tpu.memory_space<hbm>>
    tpu.enqueue_dma source(%dma_start3A_13 : memref<512xi32, #tpu.memory_space<hbm>>) target(%dma_start3A_12 : memref<512xi32, #tpu.memory_space<vmem>>) target_semaphore(%arg19 : memref<!tpu.dma_semaphore, #tpu.memory_space<semaphore_mem>>)
    %dma_start3A_14 = arith.constant 1024 : i32
    %dma_start3A_15 = tpu.memref_slice %arg9[%dma_start3A_14] : memref<1536xi32, #tpu.memory_space<vmem>> -> memref<512xi32, #tpu.memory_space<vmem>>
    %dma_start3A_16 = tpu.memref_slice %arg4[%mul3A_2] : memref<16384xi32, #tpu.memory_space<hbm>> -> memref<512xi32, #tpu.memory_space<hbm>>
    %dma_start3A_17 = arith.constant 1024 : i32
    %dma_start3A_18 = tpu.memref_slice %arg9[%dma_start3A_17] : memref<1536xi32, #tpu.memory_space<vmem>> -> memref<512xi32, #tpu.memory_space<vmem>>
    %dma_start3A_19 = tpu.memref_slice %arg4[%mul3A_2] : memref<16384xi32, #tpu.memory_space<hbm>> -> memref<512xi32, #tpu.memory_space<hbm>>
    tpu.enqueue_dma source(%dma_start3A_19 : memref<512xi32, #tpu.memory_space<hbm>>) target(%dma_start3A_18 : memref<512xi32, #tpu.memory_space<vmem>>) target_semaphore(%arg20 : memref<!tpu.dma_semaphore, #tpu.memory_space<semaphore_mem>>)
    %mul3A_20 = arith.constant 64 : i32
    %mul3A_21 = arith.muli %arg1, %mul3A_20 : i32
    %min3A = arith.constant 936 : i32
    %min3A_22 = arith.minsi %mul3A_21, %min3A : i32
    "tpu.region"() ({
      %run_scoped3A = tpu.sem_alloc : memref<!tpu.dma_semaphore, #tpu.memory_space<semaphore_mem>>
      %dma_start3A_328 = arith.constant 0 : i32
      %dma_start3A_329 = tpu.memref_slice %arg11[%min3A_22, %dma_start3A_328] : memref<1000x128xf32, #tpu.memory_space<vmem_shared>> -> memref<64x128xf32, #tpu.memory_space<vmem_shared>>
      %dma_start3A_330 = arith.constant 0 : i32
      %dma_start3A_331 = tpu.memref_slice %arg6[%min3A_22, %dma_start3A_330] : memref<1000x128xf32, #tpu.memory_space<hbm>> -> memref<64x128xf32, #tpu.memory_space<hbm>>
      tpu.enqueue_dma source(%dma_start3A_331 : memref<64x128xf32, #tpu.memory_space<hbm>>) target(%dma_start3A_329 : memref<64x128xf32, #tpu.memory_space<vmem_shared>>) target_semaphore(%run_scoped3A : memref<!tpu.dma_semaphore, #tpu.memory_space<semaphore_mem>>)
      %dma_wait3A_332 = arith.constant 0 : i32
      %dma_wait3A_333 = tpu.memref_slice %arg11[%min3A_22, %dma_wait3A_332] : memref<1000x128xf32, #tpu.memory_space<vmem_shared>> -> memref<64x128xf32, #tpu.memory_space<vmem_shared>>
      %dma_wait3A_334 = arith.constant 0 : i32
      %dma_wait3A_335 = tpu.memref_slice %arg6[%min3A_22, %dma_wait3A_334] : memref<1000x128xf32, #tpu.memory_space<hbm>> -> memref<64x128xf32, #tpu.memory_space<hbm>>
      tpu.wait_dma2 semaphore(%run_scoped3A : memref<!tpu.dma_semaphore, #tpu.memory_space<semaphore_mem>>) src(%dma_wait3A_335 : memref<64x128xf32, #tpu.memory_space<hbm>>) dst(%dma_wait3A_333 : memref<64x128xf32, #tpu.memory_space<vmem_shared>>)
      tpu.yield
    }) : () -> ()
    %dma_wait3A = arith.constant 0 : i32
    %dma_wait3A_23 = tpu.memref_slice %arg9[%dma_wait3A] : memref<1536xi32, #tpu.memory_space<vmem>> -> memref<512xi32, #tpu.memory_space<vmem>>
    %dma_wait3A_24 = tpu.memref_slice %arg2[%mul3A_2] : memref<16384xi32, #tpu.memory_space<hbm>> -> memref<512xi32, #tpu.memory_space<hbm>>
    %dma_wait3A_25 = arith.constant 0 : i32
    %dma_wait3A_26 = tpu.memref_slice %arg9[%dma_wait3A_25] : memref<1536xi32, #tpu.memory_space<vmem>> -> memref<512xi32, #tpu.memory_space<vmem>>
    %dma_wait3A_27 = tpu.memref_slice %arg2[%mul3A_2] : memref<16384xi32, #tpu.memory_space<hbm>> -> memref<512xi32, #tpu.memory_space<hbm>>
    tpu.wait_dma2 semaphore(%arg18 : memref<!tpu.dma_semaphore, #tpu.memory_space<semaphore_mem>>) src(%dma_wait3A_27 : memref<512xi32, #tpu.memory_space<hbm>>) dst(%dma_wait3A_26 : memref<512xi32, #tpu.memory_space<vmem>>)
    %dma_start3A_28 = arith.constant 0 : i32
    %dma_start3A_29 = arith.constant 0 : i32
    %dma_start3A_30 = arith.constant 0 : i32
    %dma_start3A_31 = tpu.memref_slice %arg10[%dma_start3A_28, %dma_start3A_29, %dma_start3A_30] : memref<3x256x128xf32, #tpu.memory_space<vmem>> -> memref<1x256x128xf32, #tpu.memory_space<vmem>>
    %dma_start3A_32 = tpu.memref_squeeze %dma_start3A_31 : memref<1x256x128xf32, #tpu.memory_space<vmem>> -> memref<256x128xf32, #tpu.memory_space<vmem>>
    %dma_start3A_33 = arith.constant 0 : i32
    %dma_start3A_34 = tpu.memref_slice %arg9[%dma_start3A_33] : memref<1536xi32, #tpu.memory_space<vmem>> -> memref<256xi32, #tpu.memory_space<vmem>>
    %dma_start3A_35 = arith.constant 0 : i32
    %dma_start3A_36 = arith.constant 0 : i32
    %dma_start3A_37 = tpu.memref_slice %arg5[%dma_start3A_35, %dma_start3A_36] : memref<1000000x128xf32, #tpu.memory_space<hbm>> -> memref<1000000x128xf32, #tpu.memory_space<hbm>>
    tpu.enqueue_indirect_dma source(%dma_start3A_37 : memref<1000000x128xf32, #tpu.memory_space<hbm>>) target(%dma_start3A_32 : memref<256x128xf32, #tpu.memory_space<vmem>>) offsets(%dma_start3A_34 : memref<256xi32, #tpu.memory_space<vmem>>) semaphore(%arg12 : memref<!tpu.dma_semaphore, #tpu.memory_space<semaphore_mem>>)
    %dma_start3A_38 = arith.constant 1 : i32
    %dma_start3A_39 = arith.constant 0 : i32
    %dma_start3A_40 = arith.constant 0 : i32
    %dma_start3A_41 = tpu.memref_slice %arg10[%dma_start3A_38, %dma_start3A_39, %dma_start3A_40] : memref<3x256x128xf32, #tpu.memory_space<vmem>> -> memref<1x256x128xf32, #tpu.memory_space<vmem>>
    %dma_start3A_42 = tpu.memref_squeeze %dma_start3A_41 : memref<1x256x128xf32, #tpu.memory_space<vmem>> -> memref<256x128xf32, #tpu.memory_space<vmem>>
    %dma_start3A_43 = arith.constant 256 : i32
    %dma_start3A_44 = tpu.memref_slice %arg9[%dma_start3A_43] : memref<1536xi32, #tpu.memory_space<vmem>> -> memref<256xi32, #tpu.memory_space<vmem>>
    %dma_start3A_45 = arith.constant 0 : i32
    %dma_start3A_46 = arith.constant 0 : i32
    %dma_start3A_47 = tpu.memref_slice %arg5[%dma_start3A_45, %dma_start3A_46] : memref<1000000x128xf32, #tpu.memory_space<hbm>> -> memref<1000000x128xf32, #tpu.memory_space<hbm>>
    tpu.enqueue_indirect_dma source(%dma_start3A_47 : memref<1000000x128xf32, #tpu.memory_space<hbm>>) target(%dma_start3A_42 : memref<256x128xf32, #tpu.memory_space<vmem>>) offsets(%dma_start3A_44 : memref<256xi32, #tpu.memory_space<vmem>>) semaphore(%arg13 : memref<!tpu.dma_semaphore, #tpu.memory_space<semaphore_mem>>)
    %dma_wait3A_48 = arith.constant 0 : i32
    %dma_wait3A_49 = arith.constant 0 : i32
    %dma_wait3A_50 = arith.constant 0 : i32
    %dma_wait3A_51 = tpu.memref_slice %arg10[%dma_wait3A_48, %dma_wait3A_49, %dma_wait3A_50] : memref<3x256x128xf32, #tpu.memory_space<vmem>> -> memref<1x256x128xf32, #tpu.memory_space<vmem>>
    %dma_wait3A_52 = tpu.memref_squeeze %dma_wait3A_51 : memref<1x256x128xf32, #tpu.memory_space<vmem>> -> memref<256x128xf32, #tpu.memory_space<vmem>>
    %dma_wait3A_53 = arith.constant 0 : i32
    %dma_wait3A_54 = tpu.memref_slice %arg9[%dma_wait3A_53] : memref<1536xi32, #tpu.memory_space<vmem>> -> memref<256xi32, #tpu.memory_space<vmem>>
    %dma_wait3A_55 = arith.constant 0 : i32
    %dma_wait3A_56 = arith.constant 0 : i32
    %dma_wait3A_57 = tpu.memref_slice %arg5[%dma_wait3A_55, %dma_wait3A_56] : memref<1000000x128xf32, #tpu.memory_space<hbm>> -> memref<1000000x128xf32, #tpu.memory_space<hbm>>
    tpu.wait_indirect_dma semaphore(%arg12 : memref<!tpu.dma_semaphore, #tpu.memory_space<semaphore_mem>>) src(%dma_wait3A_57 : memref<1000000x128xf32, #tpu.memory_space<hbm>>) dst(%dma_wait3A_52 : memref<256x128xf32, #tpu.memory_space<vmem>>)
    %add3A_58 = arith.constant 0 : i32
    %add3A_59 = arith.addi %mul3A_2, %add3A_58 : i32
    %dma_start3A_60 = arith.constant 0 : i32
    %dma_start3A_61 = arith.constant 0 : i32
    %dma_start3A_62 = arith.constant 0 : i32
    %dma_start3A_63 = tpu.memref_slice %arg10[%dma_start3A_60, %dma_start3A_61, %dma_start3A_62] : memref<3x256x128xf32, #tpu.memory_space<vmem>> -> memref<1x256x128xf32, #tpu.memory_space<vmem>>
    %dma_start3A_64 = tpu.memref_squeeze %dma_start3A_63 : memref<1x256x128xf32, #tpu.memory_space<vmem>> -> memref<256x128xf32, #tpu.memory_space<vmem>>
    %dma_start3A_65 = arith.constant 0 : i32
    %dma_start3A_66 = tpu.memref_slice %arg8[%add3A_59, %dma_start3A_65] : memref<16384x384xf32, #tpu.memory_space<hbm>> -> memref<256x128xf32, #tpu.memory_space<hbm>>
    %dma_start3A_67 = arith.constant 0 : i32
    %dma_start3A_68 = tpu.memref_slice %arg8[%add3A_59, %dma_start3A_67] : memref<16384x384xf32, #tpu.memory_space<hbm>> -> memref<256x128xf32, #tpu.memory_space<hbm>>
    %dma_start3A_69 = arith.constant 0 : i32
    %dma_start3A_70 = arith.constant 0 : i32
    %dma_start3A_71 = tpu.memref_slice %arg10[%dma_start3A_60, %dma_start3A_69, %dma_start3A_70] : memref<3x256x128xf32, #tpu.memory_space<vmem>> -> memref<1x256x128xf32, #tpu.memory_space<vmem>>
    %dma_start3A_72 = tpu.memref_squeeze %dma_start3A_71 : memref<1x256x128xf32, #tpu.memory_space<vmem>> -> memref<256x128xf32, #tpu.memory_space<vmem>>
    tpu.enqueue_dma source(%dma_start3A_72 : memref<256x128xf32, #tpu.memory_space<vmem>>) target(%dma_start3A_68 : memref<256x128xf32, #tpu.memory_space<hbm>>) target_semaphore(%arg15 : memref<!tpu.dma_semaphore, #tpu.memory_space<semaphore_mem>>)
    %dma_wait3A_73 = arith.constant 512 : i32
    %dma_wait3A_74 = tpu.memref_slice %arg9[%dma_wait3A_73] : memref<1536xi32, #tpu.memory_space<vmem>> -> memref<512xi32, #tpu.memory_space<vmem>>
    %dma_wait3A_75 = tpu.memref_slice %arg3[%mul3A_2] : memref<16384xi32, #tpu.memory_space<hbm>> -> memref<512xi32, #tpu.memory_space<hbm>>
    %dma_wait3A_76 = arith.constant 512 : i32
    %dma_wait3A_77 = tpu.memref_slice %arg9[%dma_wait3A_76] : memref<1536xi32, #tpu.memory_space<vmem>> -> memref<512xi32, #tpu.memory_space<vmem>>
    %dma_wait3A_78 = tpu.memref_slice %arg3[%mul3A_2] : memref<16384xi32, #tpu.memory_space<hbm>> -> memref<512xi32, #tpu.memory_space<hbm>>
    tpu.wait_dma2 semaphore(%arg19 : memref<!tpu.dma_semaphore, #tpu.memory_space<semaphore_mem>>) src(%dma_wait3A_78 : memref<512xi32, #tpu.memory_space<hbm>>) dst(%dma_wait3A_77 : memref<512xi32, #tpu.memory_space<vmem>>)
    %dma_start3A_79 = arith.constant 2 : i32
    %dma_start3A_80 = arith.constant 0 : i32
    %dma_start3A_81 = arith.constant 0 : i32
    %dma_start3A_82 = tpu.memref_slice %arg10[%dma_start3A_79, %dma_start3A_80, %dma_start3A_81] : memref<3x256x128xf32, #tpu.memory_space<vmem>> -> memref<1x256x128xf32, #tpu.memory_space<vmem>>
    %dma_start3A_83 = tpu.memref_squeeze %dma_start3A_82 : memref<1x256x128xf32, #tpu.memory_space<vmem>> -> memref<256x128xf32, #tpu.memory_space<vmem>>
    %dma_start3A_84 = arith.constant 512 : i32
    %dma_start3A_85 = tpu.memref_slice %arg9[%dma_start3A_84] : memref<1536xi32, #tpu.memory_space<vmem>> -> memref<256xi32, #tpu.memory_space<vmem>>
    %dma_start3A_86 = arith.constant 0 : i32
    %dma_start3A_87 = arith.constant 0 : i32
    %dma_start3A_88 = tpu.memref_slice %arg7[%dma_start3A_86, %dma_start3A_87] : memref<100000x128xf32, #tpu.memory_space<hbm>> -> memref<100000x128xf32, #tpu.memory_space<hbm>>
    tpu.enqueue_indirect_dma source(%dma_start3A_88 : memref<100000x128xf32, #tpu.memory_space<hbm>>) target(%dma_start3A_83 : memref<256x128xf32, #tpu.memory_space<vmem>>) offsets(%dma_start3A_85 : memref<256xi32, #tpu.memory_space<vmem>>) semaphore(%arg14 : memref<!tpu.dma_semaphore, #tpu.memory_space<semaphore_mem>>)
    %dma_wait3A_89 = arith.constant 1 : i32
    %dma_wait3A_90 = arith.constant 0 : i32
    %dma_wait3A_91 = arith.constant 0 : i32
    %dma_wait3A_92 = tpu.memref_slice %arg10[%dma_wait3A_89, %dma_wait3A_90, %dma_wait3A_91] : memref<3x256x128xf32, #tpu.memory_space<vmem>> -> memref<1x256x128xf32, #tpu.memory_space<vmem>>
    %dma_wait3A_93 = tpu.memref_squeeze %dma_wait3A_92 : memref<1x256x128xf32, #tpu.memory_space<vmem>> -> memref<256x128xf32, #tpu.memory_space<vmem>>
    %dma_wait3A_94 = arith.constant 256 : i32
    %dma_wait3A_95 = tpu.memref_slice %arg9[%dma_wait3A_94] : memref<1536xi32, #tpu.memory_space<vmem>> -> memref<256xi32, #tpu.memory_space<vmem>>
    %dma_wait3A_96 = arith.constant 0 : i32
    %dma_wait3A_97 = arith.constant 0 : i32
    %dma_wait3A_98 = tpu.memref_slice %arg5[%dma_wait3A_96, %dma_wait3A_97] : memref<1000000x128xf32, #tpu.memory_space<hbm>> -> memref<1000000x128xf32, #tpu.memory_space<hbm>>
    tpu.wait_indirect_dma semaphore(%arg13 : memref<!tpu.dma_semaphore, #tpu.memory_space<semaphore_mem>>) src(%dma_wait3A_98 : memref<1000000x128xf32, #tpu.memory_space<hbm>>) dst(%dma_wait3A_93 : memref<256x128xf32, #tpu.memory_space<vmem>>)
    %add3A_99 = arith.constant 256 : i32
    %add3A_100 = arith.addi %mul3A_2, %add3A_99 : i32
    %dma_start3A_101 = arith.constant 1 : i32
    %dma_start3A_102 = arith.constant 0 : i32
    %dma_start3A_103 = arith.constant 0 : i32
    %dma_start3A_104 = tpu.memref_slice %arg10[%dma_start3A_101, %dma_start3A_102, %dma_start3A_103] : memref<3x256x128xf32, #tpu.memory_space<vmem>> -> memref<1x256x128xf32, #tpu.memory_space<vmem>>
    %dma_start3A_105 = tpu.memref_squeeze %dma_start3A_104 : memref<1x256x128xf32, #tpu.memory_space<vmem>> -> memref<256x128xf32, #tpu.memory_space<vmem>>
    %dma_start3A_106 = arith.constant 0 : i32
    %dma_start3A_107 = tpu.memref_slice %arg8[%add3A_100, %dma_start3A_106] : memref<16384x384xf32, #tpu.memory_space<hbm>> -> memref<256x128xf32, #tpu.memory_space<hbm>>
    %dma_start3A_108 = arith.constant 0 : i32
    %dma_start3A_109 = tpu.memref_slice %arg8[%add3A_100, %dma_start3A_108] : memref<16384x384xf32, #tpu.memory_space<hbm>> -> memref<256x128xf32, #tpu.memory_space<hbm>>
    %dma_start3A_110 = arith.constant 0 : i32
    %dma_start3A_111 = arith.constant 0 : i32
    %dma_start3A_112 = tpu.memref_slice %arg10[%dma_start3A_101, %dma_start3A_110, %dma_start3A_111] : memref<3x256x128xf32, #tpu.memory_space<vmem>> -> memref<1x256x128xf32, #tpu.memory_space<vmem>>
    %dma_start3A_113 = tpu.memref_squeeze %dma_start3A_112 : memref<1x256x128xf32, #tpu.memory_space<vmem>> -> memref<256x128xf32, #tpu.memory_space<vmem>>
    tpu.enqueue_dma source(%dma_start3A_113 : memref<256x128xf32, #tpu.memory_space<vmem>>) target(%dma_start3A_109 : memref<256x128xf32, #tpu.memory_space<hbm>>) target_semaphore(%arg16 : memref<!tpu.dma_semaphore, #tpu.memory_space<semaphore_mem>>)
    %dma_wait3A_114 = arith.constant 0 : i32
    %dma_wait3A_115 = arith.constant 0 : i32
    %dma_wait3A_116 = arith.constant 0 : i32
    %dma_wait3A_117 = tpu.memref_slice %arg10[%dma_wait3A_114, %dma_wait3A_115, %dma_wait3A_116] : memref<3x256x128xf32, #tpu.memory_space<vmem>> -> memref<1x256x128xf32, #tpu.memory_space<vmem>>
    %dma_wait3A_118 = tpu.memref_squeeze %dma_wait3A_117 : memref<1x256x128xf32, #tpu.memory_space<vmem>> -> memref<256x128xf32, #tpu.memory_space<vmem>>
    %dma_wait3A_119 = arith.constant 0 : i32
    %dma_wait3A_120 = tpu.memref_slice %arg8[%add3A_59, %dma_wait3A_119] : memref<16384x384xf32, #tpu.memory_space<hbm>> -> memref<256x128xf32, #tpu.memory_space<hbm>>
    %dma_wait3A_121 = arith.constant 0 : i32
    %dma_wait3A_122 = tpu.memref_slice %arg8[%add3A_59, %dma_wait3A_121] : memref<16384x384xf32, #tpu.memory_space<hbm>> -> memref<256x128xf32, #tpu.memory_space<hbm>>
    %dma_wait3A_123 = arith.constant 0 : i32
    %dma_wait3A_124 = arith.constant 0 : i32
    %dma_wait3A_125 = tpu.memref_slice %arg10[%dma_wait3A_114, %dma_wait3A_123, %dma_wait3A_124] : memref<3x256x128xf32, #tpu.memory_space<vmem>> -> memref<1x256x128xf32, #tpu.memory_space<vmem>>
    %dma_wait3A_126 = tpu.memref_squeeze %dma_wait3A_125 : memref<1x256x128xf32, #tpu.memory_space<vmem>> -> memref<256x128xf32, #tpu.memory_space<vmem>>
    tpu.wait_dma2 semaphore(%arg15 : memref<!tpu.dma_semaphore, #tpu.memory_space<semaphore_mem>>) src(%dma_wait3A_126 : memref<256x128xf32, #tpu.memory_space<vmem>>) dst(%dma_wait3A_122 : memref<256x128xf32, #tpu.memory_space<hbm>>)
    %dma_start3A_127 = arith.constant 0 : i32
    %dma_start3A_128 = arith.constant 0 : i32
    %dma_start3A_129 = arith.constant 0 : i32
    %dma_start3A_130 = tpu.memref_slice %arg10[%dma_start3A_127, %dma_start3A_128, %dma_start3A_129] : memref<3x256x128xf32, #tpu.memory_space<vmem>> -> memref<1x256x128xf32, #tpu.memory_space<vmem>>
    %dma_start3A_131 = tpu.memref_squeeze %dma_start3A_130 : memref<1x256x128xf32, #tpu.memory_space<vmem>> -> memref<256x128xf32, #tpu.memory_space<vmem>>
    %dma_start3A_132 = arith.constant 768 : i32
    %dma_start3A_133 = tpu.memref_slice %arg9[%dma_start3A_132] : memref<1536xi32, #tpu.memory_space<vmem>> -> memref<256xi32, #tpu.memory_space<vmem>>
    %dma_start3A_134 = arith.constant 0 : i32
    %dma_start3A_135 = arith.constant 0 : i32
    %dma_start3A_136 = tpu.memref_slice %arg7[%dma_start3A_134, %dma_start3A_135] : memref<100000x128xf32, #tpu.memory_space<hbm>> -> memref<100000x128xf32, #tpu.memory_space<hbm>>
    tpu.enqueue_indirect_dma source(%dma_start3A_136 : memref<100000x128xf32, #tpu.memory_space<hbm>>) target(%dma_start3A_131 : memref<256x128xf32, #tpu.memory_space<vmem>>) offsets(%dma_start3A_133 : memref<256xi32, #tpu.memory_space<vmem>>) semaphore(%arg12 : memref<!tpu.dma_semaphore, #tpu.memory_space<semaphore_mem>>)
    %dma_wait3A_137 = arith.constant 2 : i32
    %dma_wait3A_138 = arith.constant 0 : i32
    %dma_wait3A_139 = arith.constant 0 : i32
    %dma_wait3A_140 = tpu.memref_slice %arg10[%dma_wait3A_137, %dma_wait3A_138, %dma_wait3A_139] : memref<3x256x128xf32, #tpu.memory_space<vmem>> -> memref<1x256x128xf32, #tpu.memory_space<vmem>>
    %dma_wait3A_141 = tpu.memref_squeeze %dma_wait3A_140 : memref<1x256x128xf32, #tpu.memory_space<vmem>> -> memref<256x128xf32, #tpu.memory_space<vmem>>
    %dma_wait3A_142 = arith.constant 512 : i32
    %dma_wait3A_143 = tpu.memref_slice %arg9[%dma_wait3A_142] : memref<1536xi32, #tpu.memory_space<vmem>> -> memref<256xi32, #tpu.memory_space<vmem>>
    %dma_wait3A_144 = arith.constant 0 : i32
    %dma_wait3A_145 = arith.constant 0 : i32
    %dma_wait3A_146 = tpu.memref_slice %arg7[%dma_wait3A_144, %dma_wait3A_145] : memref<100000x128xf32, #tpu.memory_space<hbm>> -> memref<100000x128xf32, #tpu.memory_space<hbm>>
    tpu.wait_indirect_dma semaphore(%arg14 : memref<!tpu.dma_semaphore, #tpu.memory_space<semaphore_mem>>) src(%dma_wait3A_146 : memref<100000x128xf32, #tpu.memory_space<hbm>>) dst(%dma_wait3A_141 : memref<256x128xf32, #tpu.memory_space<vmem>>)
    %add3A_147 = arith.constant 0 : i32
    %add3A_148 = arith.addi %mul3A_2, %add3A_147 : i32
    %dma_start3A_149 = arith.constant 2 : i32
    %dma_start3A_150 = arith.constant 0 : i32
    %dma_start3A_151 = arith.constant 0 : i32
    %dma_start3A_152 = tpu.memref_slice %arg10[%dma_start3A_149, %dma_start3A_150, %dma_start3A_151] : memref<3x256x128xf32, #tpu.memory_space<vmem>> -> memref<1x256x128xf32, #tpu.memory_space<vmem>>
    %dma_start3A_153 = tpu.memref_squeeze %dma_start3A_152 : memref<1x256x128xf32, #tpu.memory_space<vmem>> -> memref<256x128xf32, #tpu.memory_space<vmem>>
    %dma_start3A_154 = arith.constant 256 : i32
    %dma_start3A_155 = tpu.memref_slice %arg8[%add3A_148, %dma_start3A_154] : memref<16384x384xf32, #tpu.memory_space<hbm>> -> memref<256x128xf32, #tpu.memory_space<hbm>>
    %dma_start3A_156 = arith.constant 256 : i32
    %dma_start3A_157 = tpu.memref_slice %arg8[%add3A_148, %dma_start3A_156] : memref<16384x384xf32, #tpu.memory_space<hbm>> -> memref<256x128xf32, #tpu.memory_space<hbm>>
    %dma_start3A_158 = arith.constant 0 : i32
    %dma_start3A_159 = arith.constant 0 : i32
    %dma_start3A_160 = tpu.memref_slice %arg10[%dma_start3A_149, %dma_start3A_158, %dma_start3A_159] : memref<3x256x128xf32, #tpu.memory_space<vmem>> -> memref<1x256x128xf32, #tpu.memory_space<vmem>>
    %dma_start3A_161 = tpu.memref_squeeze %dma_start3A_160 : memref<1x256x128xf32, #tpu.memory_space<vmem>> -> memref<256x128xf32, #tpu.memory_space<vmem>>
    tpu.enqueue_dma source(%dma_start3A_161 : memref<256x128xf32, #tpu.memory_space<vmem>>) target(%dma_start3A_157 : memref<256x128xf32, #tpu.memory_space<hbm>>) target_semaphore(%arg17 : memref<!tpu.dma_semaphore, #tpu.memory_space<semaphore_mem>>)
    %dma_wait3A_162 = arith.constant 1 : i32
    %dma_wait3A_163 = arith.constant 0 : i32
    %dma_wait3A_164 = arith.constant 0 : i32
    %dma_wait3A_165 = tpu.memref_slice %arg10[%dma_wait3A_162, %dma_wait3A_163, %dma_wait3A_164] : memref<3x256x128xf32, #tpu.memory_space<vmem>> -> memref<1x256x128xf32, #tpu.memory_space<vmem>>
    %dma_wait3A_166 = tpu.memref_squeeze %dma_wait3A_165 : memref<1x256x128xf32, #tpu.memory_space<vmem>> -> memref<256x128xf32, #tpu.memory_space<vmem>>
    %dma_wait3A_167 = arith.constant 0 : i32
    %dma_wait3A_168 = tpu.memref_slice %arg8[%add3A_100, %dma_wait3A_167] : memref<16384x384xf32, #tpu.memory_space<hbm>> -> memref<256x128xf32, #tpu.memory_space<hbm>>
    %dma_wait3A_169 = arith.constant 0 : i32
    %dma_wait3A_170 = tpu.memref_slice %arg8[%add3A_100, %dma_wait3A_169] : memref<16384x384xf32, #tpu.memory_space<hbm>> -> memref<256x128xf32, #tpu.memory_space<hbm>>
    %dma_wait3A_171 = arith.constant 0 : i32
    %dma_wait3A_172 = arith.constant 0 : i32
    %dma_wait3A_173 = tpu.memref_slice %arg10[%dma_wait3A_162, %dma_wait3A_171, %dma_wait3A_172] : memref<3x256x128xf32, #tpu.memory_space<vmem>> -> memref<1x256x128xf32, #tpu.memory_space<vmem>>
    %dma_wait3A_174 = tpu.memref_squeeze %dma_wait3A_173 : memref<1x256x128xf32, #tpu.memory_space<vmem>> -> memref<256x128xf32, #tpu.memory_space<vmem>>
    tpu.wait_dma2 semaphore(%arg16 : memref<!tpu.dma_semaphore, #tpu.memory_space<semaphore_mem>>) src(%dma_wait3A_174 : memref<256x128xf32, #tpu.memory_space<vmem>>) dst(%dma_wait3A_170 : memref<256x128xf32, #tpu.memory_space<hbm>>)
    %dma_wait3A_175 = arith.constant 1024 : i32
    %dma_wait3A_176 = tpu.memref_slice %arg9[%dma_wait3A_175] : memref<1536xi32, #tpu.memory_space<vmem>> -> memref<512xi32, #tpu.memory_space<vmem>>
    %dma_wait3A_177 = tpu.memref_slice %arg4[%mul3A_2] : memref<16384xi32, #tpu.memory_space<hbm>> -> memref<512xi32, #tpu.memory_space<hbm>>
    %dma_wait3A_178 = arith.constant 1024 : i32
    %dma_wait3A_179 = tpu.memref_slice %arg9[%dma_wait3A_178] : memref<1536xi32, #tpu.memory_space<vmem>> -> memref<512xi32, #tpu.memory_space<vmem>>
    %dma_wait3A_180 = tpu.memref_slice %arg4[%mul3A_2] : memref<16384xi32, #tpu.memory_space<hbm>> -> memref<512xi32, #tpu.memory_space<hbm>>
    tpu.wait_dma2 semaphore(%arg20 : memref<!tpu.dma_semaphore, #tpu.memory_space<semaphore_mem>>) src(%dma_wait3A_180 : memref<512xi32, #tpu.memory_space<hbm>>) dst(%dma_wait3A_179 : memref<512xi32, #tpu.memory_space<vmem>>)
    %barrier3A = arith.constant 0 : index
    tpu.barrier barrier_id(%barrier3A)
    %dma_start3A_181 = arith.constant 1 : i32
    %dma_start3A_182 = arith.constant 0 : i32
    %dma_start3A_183 = arith.constant 0 : i32
    %dma_start3A_184 = tpu.memref_slice %arg10[%dma_start3A_181, %dma_start3A_182, %dma_start3A_183] : memref<3x256x128xf32, #tpu.memory_space<vmem>> -> memref<1x256x128xf32, #tpu.memory_space<vmem>>
    %dma_start3A_185 = tpu.memref_squeeze %dma_start3A_184 : memref<1x256x128xf32, #tpu.memory_space<vmem>> -> memref<256x128xf32, #tpu.memory_space<vmem>>
    %dma_start3A_186 = arith.constant 1024 : i32
    %dma_start3A_187 = tpu.memref_slice %arg9[%dma_start3A_186] : memref<1536xi32, #tpu.memory_space<vmem>> -> memref<256xi32, #tpu.memory_space<vmem>>
    %dma_start3A_188 = arith.constant 0 : i32
    %dma_start3A_189 = arith.constant 0 : i32
    %dma_start3A_190 = tpu.memref_slice %arg11[%dma_start3A_188, %dma_start3A_189] : memref<1000x128xf32, #tpu.memory_space<vmem_shared>> -> memref<1000x128xf32, #tpu.memory_space<vmem_shared>>
    tpu.enqueue_indirect_dma source(%dma_start3A_190 : memref<1000x128xf32, #tpu.memory_space<vmem_shared>>) target(%dma_start3A_185 : memref<256x128xf32, #tpu.memory_space<vmem>>) offsets(%dma_start3A_187 : memref<256xi32, #tpu.memory_space<vmem>>) semaphore(%arg13 : memref<!tpu.dma_semaphore, #tpu.memory_space<semaphore_mem>>)
    %dma_wait3A_191 = arith.constant 0 : i32
    %dma_wait3A_192 = arith.constant 0 : i32
    %dma_wait3A_193 = arith.constant 0 : i32
    %dma_wait3A_194 = tpu.memref_slice %arg10[%dma_wait3A_191, %dma_wait3A_192, %dma_wait3A_193] : memref<3x256x128xf32, #tpu.memory_space<vmem>> -> memref<1x256x128xf32, #tpu.memory_space<vmem>>
    %dma_wait3A_195 = tpu.memref_squeeze %dma_wait3A_194 : memref<1x256x128xf32, #tpu.memory_space<vmem>> -> memref<256x128xf32, #tpu.memory_space<vmem>>
    %dma_wait3A_196 = arith.constant 768 : i32
    %dma_wait3A_197 = tpu.memref_slice %arg9[%dma_wait3A_196] : memref<1536xi32, #tpu.memory_space<vmem>> -> memref<256xi32, #tpu.memory_space<vmem>>
    %dma_wait3A_198 = arith.constant 0 : i32
    %dma_wait3A_199 = arith.constant 0 : i32
    %dma_wait3A_200 = tpu.memref_slice %arg7[%dma_wait3A_198, %dma_wait3A_199] : memref<100000x128xf32, #tpu.memory_space<hbm>> -> memref<100000x128xf32, #tpu.memory_space<hbm>>
    tpu.wait_indirect_dma semaphore(%arg12 : memref<!tpu.dma_semaphore, #tpu.memory_space<semaphore_mem>>) src(%dma_wait3A_200 : memref<100000x128xf32, #tpu.memory_space<hbm>>) dst(%dma_wait3A_195 : memref<256x128xf32, #tpu.memory_space<vmem>>)
    %add3A_201 = arith.constant 256 : i32
    %add3A_202 = arith.addi %mul3A_2, %add3A_201 : i32
    %dma_start3A_203 = arith.constant 0 : i32
    %dma_start3A_204 = arith.constant 0 : i32
    %dma_start3A_205 = arith.constant 0 : i32
    %dma_start3A_206 = tpu.memref_slice %arg10[%dma_start3A_203, %dma_start3A_204, %dma_start3A_205] : memref<3x256x128xf32, #tpu.memory_space<vmem>> -> memref<1x256x128xf32, #tpu.memory_space<vmem>>
    %dma_start3A_207 = tpu.memref_squeeze %dma_start3A_206 : memref<1x256x128xf32, #tpu.memory_space<vmem>> -> memref<256x128xf32, #tpu.memory_space<vmem>>
    %dma_start3A_208 = arith.constant 256 : i32
    %dma_start3A_209 = tpu.memref_slice %arg8[%add3A_202, %dma_start3A_208] : memref<16384x384xf32, #tpu.memory_space<hbm>> -> memref<256x128xf32, #tpu.memory_space<hbm>>
    %dma_start3A_210 = arith.constant 256 : i32
    %dma_start3A_211 = tpu.memref_slice %arg8[%add3A_202, %dma_start3A_210] : memref<16384x384xf32, #tpu.memory_space<hbm>> -> memref<256x128xf32, #tpu.memory_space<hbm>>
    %dma_start3A_212 = arith.constant 0 : i32
    %dma_start3A_213 = arith.constant 0 : i32
    %dma_start3A_214 = tpu.memref_slice %arg10[%dma_start3A_203, %dma_start3A_212, %dma_start3A_213] : memref<3x256x128xf32, #tpu.memory_space<vmem>> -> memref<1x256x128xf32, #tpu.memory_space<vmem>>
    %dma_start3A_215 = tpu.memref_squeeze %dma_start3A_214 : memref<1x256x128xf32, #tpu.memory_space<vmem>> -> memref<256x128xf32, #tpu.memory_space<vmem>>
    tpu.enqueue_dma source(%dma_start3A_215 : memref<256x128xf32, #tpu.memory_space<vmem>>) target(%dma_start3A_211 : memref<256x128xf32, #tpu.memory_space<hbm>>) target_semaphore(%arg15 : memref<!tpu.dma_semaphore, #tpu.memory_space<semaphore_mem>>)
    %dma_wait3A_216 = arith.constant 2 : i32
    %dma_wait3A_217 = arith.constant 0 : i32
    %dma_wait3A_218 = arith.constant 0 : i32
    %dma_wait3A_219 = tpu.memref_slice %arg10[%dma_wait3A_216, %dma_wait3A_217, %dma_wait3A_218] : memref<3x256x128xf32, #tpu.memory_space<vmem>> -> memref<1x256x128xf32, #tpu.memory_space<vmem>>
    %dma_wait3A_220 = tpu.memref_squeeze %dma_wait3A_219 : memref<1x256x128xf32, #tpu.memory_space<vmem>> -> memref<256x128xf32, #tpu.memory_space<vmem>>
    %dma_wait3A_221 = arith.constant 256 : i32
    %dma_wait3A_222 = tpu.memref_slice %arg8[%add3A_148, %dma_wait3A_221] : memref<16384x384xf32, #tpu.memory_space<hbm>> -> memref<256x128xf32, #tpu.memory_space<hbm>>
    %dma_wait3A_223 = arith.constant 256 : i32
    %dma_wait3A_224 = tpu.memref_slice %arg8[%add3A_148, %dma_wait3A_223] : memref<16384x384xf32, #tpu.memory_space<hbm>> -> memref<256x128xf32, #tpu.memory_space<hbm>>
    %dma_wait3A_225 = arith.constant 0 : i32
    %dma_wait3A_226 = arith.constant 0 : i32
    %dma_wait3A_227 = tpu.memref_slice %arg10[%dma_wait3A_216, %dma_wait3A_225, %dma_wait3A_226] : memref<3x256x128xf32, #tpu.memory_space<vmem>> -> memref<1x256x128xf32, #tpu.memory_space<vmem>>
    %dma_wait3A_228 = tpu.memref_squeeze %dma_wait3A_227 : memref<1x256x128xf32, #tpu.memory_space<vmem>> -> memref<256x128xf32, #tpu.memory_space<vmem>>
    tpu.wait_dma2 semaphore(%arg17 : memref<!tpu.dma_semaphore, #tpu.memory_space<semaphore_mem>>) src(%dma_wait3A_228 : memref<256x128xf32, #tpu.memory_space<vmem>>) dst(%dma_wait3A_224 : memref<256x128xf32, #tpu.memory_space<hbm>>)
    %dma_start3A_229 = arith.constant 2 : i32
    %dma_start3A_230 = arith.constant 0 : i32
    %dma_start3A_231 = arith.constant 0 : i32
    %dma_start3A_232 = tpu.memref_slice %arg10[%dma_start3A_229, %dma_start3A_230, %dma_start3A_231] : memref<3x256x128xf32, #tpu.memory_space<vmem>> -> memref<1x256x128xf32, #tpu.memory_space<vmem>>
    %dma_start3A_233 = tpu.memref_squeeze %dma_start3A_232 : memref<1x256x128xf32, #tpu.memory_space<vmem>> -> memref<256x128xf32, #tpu.memory_space<vmem>>
    %dma_start3A_234 = arith.constant 1280 : i32
    %dma_start3A_235 = tpu.memref_slice %arg9[%dma_start3A_234] : memref<1536xi32, #tpu.memory_space<vmem>> -> memref<256xi32, #tpu.memory_space<vmem>>
    %dma_start3A_236 = arith.constant 0 : i32
    %dma_start3A_237 = arith.constant 0 : i32
    %dma_start3A_238 = tpu.memref_slice %arg11[%dma_start3A_236, %dma_start3A_237] : memref<1000x128xf32, #tpu.memory_space<vmem_shared>> -> memref<1000x128xf32, #tpu.memory_space<vmem_shared>>
    tpu.enqueue_indirect_dma source(%dma_start3A_238 : memref<1000x128xf32, #tpu.memory_space<vmem_shared>>) target(%dma_start3A_233 : memref<256x128xf32, #tpu.memory_space<vmem>>) offsets(%dma_start3A_235 : memref<256xi32, #tpu.memory_space<vmem>>) semaphore(%arg14 : memref<!tpu.dma_semaphore, #tpu.memory_space<semaphore_mem>>)
    %dma_wait3A_239 = arith.constant 1 : i32
    %dma_wait3A_240 = arith.constant 0 : i32
    %dma_wait3A_241 = arith.constant 0 : i32
    %dma_wait3A_242 = tpu.memref_slice %arg10[%dma_wait3A_239, %dma_wait3A_240, %dma_wait3A_241] : memref<3x256x128xf32, #tpu.memory_space<vmem>> -> memref<1x256x128xf32, #tpu.memory_space<vmem>>
    %dma_wait3A_243 = tpu.memref_squeeze %dma_wait3A_242 : memref<1x256x128xf32, #tpu.memory_space<vmem>> -> memref<256x128xf32, #tpu.memory_space<vmem>>
    %dma_wait3A_244 = arith.constant 1024 : i32
    %dma_wait3A_245 = tpu.memref_slice %arg9[%dma_wait3A_244] : memref<1536xi32, #tpu.memory_space<vmem>> -> memref<256xi32, #tpu.memory_space<vmem>>
    %dma_wait3A_246 = arith.constant 0 : i32
    %dma_wait3A_247 = arith.constant 0 : i32
    %dma_wait3A_248 = tpu.memref_slice %arg11[%dma_wait3A_246, %dma_wait3A_247] : memref<1000x128xf32, #tpu.memory_space<vmem_shared>> -> memref<1000x128xf32, #tpu.memory_space<vmem_shared>>
    tpu.wait_indirect_dma semaphore(%arg13 : memref<!tpu.dma_semaphore, #tpu.memory_space<semaphore_mem>>) src(%dma_wait3A_248 : memref<1000x128xf32, #tpu.memory_space<vmem_shared>>) dst(%dma_wait3A_243 : memref<256x128xf32, #tpu.memory_space<vmem>>)
    %add3A_249 = arith.constant 0 : i32
    %add3A_250 = arith.addi %mul3A_2, %add3A_249 : i32
    %dma_start3A_251 = arith.constant 1 : i32
    %dma_start3A_252 = arith.constant 0 : i32
    %dma_start3A_253 = arith.constant 0 : i32
    %dma_start3A_254 = tpu.memref_slice %arg10[%dma_start3A_251, %dma_start3A_252, %dma_start3A_253] : memref<3x256x128xf32, #tpu.memory_space<vmem>> -> memref<1x256x128xf32, #tpu.memory_space<vmem>>
    %dma_start3A_255 = tpu.memref_squeeze %dma_start3A_254 : memref<1x256x128xf32, #tpu.memory_space<vmem>> -> memref<256x128xf32, #tpu.memory_space<vmem>>
    %dma_start3A_256 = arith.constant 128 : i32
    %dma_start3A_257 = tpu.memref_slice %arg8[%add3A_250, %dma_start3A_256] : memref<16384x384xf32, #tpu.memory_space<hbm>> -> memref<256x128xf32, #tpu.memory_space<hbm>>
    %dma_start3A_258 = arith.constant 128 : i32
    %dma_start3A_259 = tpu.memref_slice %arg8[%add3A_250, %dma_start3A_258] : memref<16384x384xf32, #tpu.memory_space<hbm>> -> memref<256x128xf32, #tpu.memory_space<hbm>>
    %dma_start3A_260 = arith.constant 0 : i32
    %dma_start3A_261 = arith.constant 0 : i32
    %dma_start3A_262 = tpu.memref_slice %arg10[%dma_start3A_251, %dma_start3A_260, %dma_start3A_261] : memref<3x256x128xf32, #tpu.memory_space<vmem>> -> memref<1x256x128xf32, #tpu.memory_space<vmem>>
    %dma_start3A_263 = tpu.memref_squeeze %dma_start3A_262 : memref<1x256x128xf32, #tpu.memory_space<vmem>> -> memref<256x128xf32, #tpu.memory_space<vmem>>
    tpu.enqueue_dma source(%dma_start3A_263 : memref<256x128xf32, #tpu.memory_space<vmem>>) target(%dma_start3A_259 : memref<256x128xf32, #tpu.memory_space<hbm>>) target_semaphore(%arg16 : memref<!tpu.dma_semaphore, #tpu.memory_space<semaphore_mem>>)
    %dma_wait3A_264 = arith.constant 2 : i32
    %dma_wait3A_265 = arith.constant 0 : i32
    %dma_wait3A_266 = arith.constant 0 : i32
    %dma_wait3A_267 = tpu.memref_slice %arg10[%dma_wait3A_264, %dma_wait3A_265, %dma_wait3A_266] : memref<3x256x128xf32, #tpu.memory_space<vmem>> -> memref<1x256x128xf32, #tpu.memory_space<vmem>>
    %dma_wait3A_268 = tpu.memref_squeeze %dma_wait3A_267 : memref<1x256x128xf32, #tpu.memory_space<vmem>> -> memref<256x128xf32, #tpu.memory_space<vmem>>
    %dma_wait3A_269 = arith.constant 1280 : i32
    %dma_wait3A_270 = tpu.memref_slice %arg9[%dma_wait3A_269] : memref<1536xi32, #tpu.memory_space<vmem>> -> memref<256xi32, #tpu.memory_space<vmem>>
    %dma_wait3A_271 = arith.constant 0 : i32
    %dma_wait3A_272 = arith.constant 0 : i32
    %dma_wait3A_273 = tpu.memref_slice %arg11[%dma_wait3A_271, %dma_wait3A_272] : memref<1000x128xf32, #tpu.memory_space<vmem_shared>> -> memref<1000x128xf32, #tpu.memory_space<vmem_shared>>
    tpu.wait_indirect_dma semaphore(%arg14 : memref<!tpu.dma_semaphore, #tpu.memory_space<semaphore_mem>>) src(%dma_wait3A_273 : memref<1000x128xf32, #tpu.memory_space<vmem_shared>>) dst(%dma_wait3A_268 : memref<256x128xf32, #tpu.memory_space<vmem>>)
    %add3A_274 = arith.constant 256 : i32
    %add3A_275 = arith.addi %mul3A_2, %add3A_274 : i32
    %dma_start3A_276 = arith.constant 2 : i32
    %dma_start3A_277 = arith.constant 0 : i32
    %dma_start3A_278 = arith.constant 0 : i32
    %dma_start3A_279 = tpu.memref_slice %arg10[%dma_start3A_276, %dma_start3A_277, %dma_start3A_278] : memref<3x256x128xf32, #tpu.memory_space<vmem>> -> memref<1x256x128xf32, #tpu.memory_space<vmem>>
    %dma_start3A_280 = tpu.memref_squeeze %dma_start3A_279 : memref<1x256x128xf32, #tpu.memory_space<vmem>> -> memref<256x128xf32, #tpu.memory_space<vmem>>
    %dma_start3A_281 = arith.constant 128 : i32
    %dma_start3A_282 = tpu.memref_slice %arg8[%add3A_275, %dma_start3A_281] : memref<16384x384xf32, #tpu.memory_space<hbm>> -> memref<256x128xf32, #tpu.memory_space<hbm>>
    %dma_start3A_283 = arith.constant 128 : i32
    %dma_start3A_284 = tpu.memref_slice %arg8[%add3A_275, %dma_start3A_283] : memref<16384x384xf32, #tpu.memory_space<hbm>> -> memref<256x128xf32, #tpu.memory_space<hbm>>
    %dma_start3A_285 = arith.constant 0 : i32
    %dma_start3A_286 = arith.constant 0 : i32
    %dma_start3A_287 = tpu.memref_slice %arg10[%dma_start3A_276, %dma_start3A_285, %dma_start3A_286] : memref<3x256x128xf32, #tpu.memory_space<vmem>> -> memref<1x256x128xf32, #tpu.memory_space<vmem>>
    %dma_start3A_288 = tpu.memref_squeeze %dma_start3A_287 : memref<1x256x128xf32, #tpu.memory_space<vmem>> -> memref<256x128xf32, #tpu.memory_space<vmem>>
    tpu.enqueue_dma source(%dma_start3A_288 : memref<256x128xf32, #tpu.memory_space<vmem>>) target(%dma_start3A_284 : memref<256x128xf32, #tpu.memory_space<hbm>>) target_semaphore(%arg17 : memref<!tpu.dma_semaphore, #tpu.memory_space<semaphore_mem>>)
    %dma_wait3A_289 = arith.constant 0 : i32
    %dma_wait3A_290 = arith.constant 0 : i32
    %dma_wait3A_291 = arith.constant 0 : i32
    %dma_wait3A_292 = tpu.memref_slice %arg10[%dma_wait3A_289, %dma_wait3A_290, %dma_wait3A_291] : memref<3x256x128xf32, #tpu.memory_space<vmem>> -> memref<1x256x128xf32, #tpu.memory_space<vmem>>
    %dma_wait3A_293 = tpu.memref_squeeze %dma_wait3A_292 : memref<1x256x128xf32, #tpu.memory_space<vmem>> -> memref<256x128xf32, #tpu.memory_space<vmem>>
    %dma_wait3A_294 = arith.constant 256 : i32
    %dma_wait3A_295 = tpu.memref_slice %arg8[%add3A_202, %dma_wait3A_294] : memref<16384x384xf32, #tpu.memory_space<hbm>> -> memref<256x128xf32, #tpu.memory_space<hbm>>
    %dma_wait3A_296 = arith.constant 256 : i32
    %dma_wait3A_297 = tpu.memref_slice %arg8[%add3A_202, %dma_wait3A_296] : memref<16384x384xf32, #tpu.memory_space<hbm>> -> memref<256x128xf32, #tpu.memory_space<hbm>>
    %dma_wait3A_298 = arith.constant 0 : i32
    %dma_wait3A_299 = arith.constant 0 : i32
    %dma_wait3A_300 = tpu.memref_slice %arg10[%dma_wait3A_289, %dma_wait3A_298, %dma_wait3A_299] : memref<3x256x128xf32, #tpu.memory_space<vmem>> -> memref<1x256x128xf32, #tpu.memory_space<vmem>>
    %dma_wait3A_301 = tpu.memref_squeeze %dma_wait3A_300 : memref<1x256x128xf32, #tpu.memory_space<vmem>> -> memref<256x128xf32, #tpu.memory_space<vmem>>
    tpu.wait_dma2 semaphore(%arg15 : memref<!tpu.dma_semaphore, #tpu.memory_space<semaphore_mem>>) src(%dma_wait3A_301 : memref<256x128xf32, #tpu.memory_space<vmem>>) dst(%dma_wait3A_297 : memref<256x128xf32, #tpu.memory_space<hbm>>)
    %dma_wait3A_302 = arith.constant 1 : i32
    %dma_wait3A_303 = arith.constant 0 : i32
    %dma_wait3A_304 = arith.constant 0 : i32
    %dma_wait3A_305 = tpu.memref_slice %arg10[%dma_wait3A_302, %dma_wait3A_303, %dma_wait3A_304] : memref<3x256x128xf32, #tpu.memory_space<vmem>> -> memref<1x256x128xf32, #tpu.memory_space<vmem>>
    %dma_wait3A_306 = tpu.memref_squeeze %dma_wait3A_305 : memref<1x256x128xf32, #tpu.memory_space<vmem>> -> memref<256x128xf32, #tpu.memory_space<vmem>>
    %dma_wait3A_307 = arith.constant 128 : i32
    %dma_wait3A_308 = tpu.memref_slice %arg8[%add3A_250, %dma_wait3A_307] : memref<16384x384xf32, #tpu.memory_space<hbm>> -> memref<256x128xf32, #tpu.memory_space<hbm>>
    %dma_wait3A_309 = arith.constant 128 : i32
    %dma_wait3A_310 = tpu.memref_slice %arg8[%add3A_250, %dma_wait3A_309] : memref<16384x384xf32, #tpu.memory_space<hbm>> -> memref<256x128xf32, #tpu.memory_space<hbm>>
    %dma_wait3A_311 = arith.constant 0 : i32
    %dma_wait3A_312 = arith.constant 0 : i32
    %dma_wait3A_313 = tpu.memref_slice %arg10[%dma_wait3A_302, %dma_wait3A_311, %dma_wait3A_312] : memref<3x256x128xf32, #tpu.memory_space<vmem>> -> memref<1x256x128xf32, #tpu.memory_space<vmem>>
    %dma_wait3A_314 = tpu.memref_squeeze %dma_wait3A_313 : memref<1x256x128xf32, #tpu.memory_space<vmem>> -> memref<256x128xf32, #tpu.memory_space<vmem>>
    tpu.wait_dma2 semaphore(%arg16 : memref<!tpu.dma_semaphore, #tpu.memory_space<semaphore_mem>>) src(%dma_wait3A_314 : memref<256x128xf32, #tpu.memory_space<vmem>>) dst(%dma_wait3A_310 : memref<256x128xf32, #tpu.memory_space<hbm>>)
    %dma_wait3A_315 = arith.constant 2 : i32
    %dma_wait3A_316 = arith.constant 0 : i32
    %dma_wait3A_317 = arith.constant 0 : i32
    %dma_wait3A_318 = tpu.memref_slice %arg10[%dma_wait3A_315, %dma_wait3A_316, %dma_wait3A_317] : memref<3x256x128xf32, #tpu.memory_space<vmem>> -> memref<1x256x128xf32, #tpu.memory_space<vmem>>
    %dma_wait3A_319 = tpu.memref_squeeze %dma_wait3A_318 : memref<1x256x128xf32, #tpu.memory_space<vmem>> -> memref<256x128xf32, #tpu.memory_space<vmem>>
    %dma_wait3A_320 = arith.constant 128 : i32
    %dma_wait3A_321 = tpu.memref_slice %arg8[%add3A_275, %dma_wait3A_320] : memref<16384x384xf32, #tpu.memory_space<hbm>> -> memref<256x128xf32, #tpu.memory_space<hbm>>
    %dma_wait3A_322 = arith.constant 128 : i32
    %dma_wait3A_323 = tpu.memref_slice %arg8[%add3A_275, %dma_wait3A_322] : memref<16384x384xf32, #tpu.memory_space<hbm>> -> memref<256x128xf32, #tpu.memory_space<hbm>>
    %dma_wait3A_324 = arith.constant 0 : i32
    %dma_wait3A_325 = arith.constant 0 : i32
    %dma_wait3A_326 = tpu.memref_slice %arg10[%dma_wait3A_315, %dma_wait3A_324, %dma_wait3A_325] : memref<3x256x128xf32, #tpu.memory_space<vmem>> -> memref<1x256x128xf32, #tpu.memory_space<vmem>>
    %dma_wait3A_327 = tpu.memref_squeeze %dma_wait3A_326 : memref<1x256x128xf32, #tpu.memory_space<vmem>> -> memref<256x128xf32, #tpu.memory_space<vmem>>
    tpu.wait_dma2 semaphore(%arg17 : memref<!tpu.dma_semaphore, #tpu.memory_space<semaphore_mem>>) src(%dma_wait3A_327 : memref<256x128xf32, #tpu.memory_space<vmem>>) dst(%dma_wait3A_323 : memref<256x128xf32, #tpu.memory_space<hbm>>)
    return
  }
}

</mosaic_0001>

<sc_bundles>
// kernel: kernel.3.cloned.1.call-start
scs
__scs_entry_jumppad:
0x0: {  	(pc) =	sbr.rel $0x88, $3  }
0x1: {  	(tag) =	ssettag $0x0;
	lr =	simm.s32 $0x1  }
0x2: {  	[smem:$0x3F9B] =	sst lr;
	_ =	strace $0xD0000000  }
0x3: {  	_ = 	snop  }
0x4: {  	_ = 	snop  }
0x5: {  	_ = 	snop  }
0x6: {  	_ = 	snop  }
0x7: {  	_ = 	snop  }
__scs_overlays_trampoline_lowered:
0x8: {  	[smem:$0x3FAA] =	sst s0  }
0x9: {  	[smem:$0x3FAB] =	sst s1  }
0xa: {  	[smem:$0x3FAC] =	sst s2  }
0xb: {  	[smem:$0x3FAD] =	sst s3  }
0xc: {  	[smem:$0x3FAE] =	sst s4  }
0xd: {  	[smem:$0x3FAF] =	sst s5  }
0xe: {  	[smem:$0x3FB0] =	sst s6  }
0xf: {  	[smem:$0x3FB1] =	sst s7  }
0x10: {  	[smem:$0x3FB2] =	sst s8  }
0x11: {  	[smem:$0x3FB3] =	sst s9;
	s0 =	simm.s32 @!p0 $0x0  }
0x12: {  	s1 =	sld [smem:$0x3F99];
	s0 =	simm.s32 @p0 $0x1  }
0x13: {  	[smem:$0x3FB4] =	sst s0;
	s0 =	simm.s32 @!p1 $0x0  }
0x14: {  	s2 =	sld [smem:$0x3F98];
	s0 =	simm.s32 @p1 $0x1  }
0x15: {  	[smem:$0x3FB5] =	sst s0;
	s0 =	simm.s32 @!p2 $0x0  }
0x16: {  	s3 =	sld [smem:$0x3FDB];
	s0 =	simm.s32 @p2 $0x1  }
0x17: {  	s4 =	simm.s32 $0x1BF5;
	[smem:$0x3FB7] =	sst s0  }
0x18: {  	s0 =	sld [smem:$0x3F9A];
	_ =	swait.ge [sflag:s4], $0x0  }
0x19: {  	s7 =	sld [smem:$0x3F9B]  }
0x1a: {  	s8 =	sadd.s32 $0xFFFFE003, lr  }
0x1b: {  	s9 =	sadd.s32 $0xFFFFFEF7, lr;
	s5 =	simm.s32 $0xFFFFFFFF;
	p2 =	slt.u32 s8, $0xFFFFF086  }
0x1c: {  	p1 =	slt.u32 s9, $0xF7A;
	s5 =	simm.s32 @!p2 $0x0  }
0x1d: {  	s5 =	simm.s32 @p1 $0x1;
	p0 =	seq.s32 s7, s2  }
0x1e: {  	s7 =	smul.u32 @!p0 $0xF7A, s2;
	p2 =	seq.s32 @!p0 s5, $0x0  }
0x1f: {  	s9 =	smul.u32 $0xF7A, s1;
	s8 =	simm.s32 @!p0 $0x1BF5;
	p2 =	por !p2, p0  }
0x20: {  	[sflag:s8] =	ssyncset.s32 @!p0 $0xFFFFF086;
	s6 =	sadd.s32 @!p0 s3, s7;
	s7 =	simm.s32 @!p0 $0x108  }
0x21: {  	s3 =	sadd.s32 s3, s9;
	s6 =	sadd.s32 @!p0 $0x88, s6;
	s7 =	simm.s32 @p2 $0x1082  }
0x22: {  	[simem:s7], [sflag:s8] =	dma.local @!p0 [hbm:s6], $0xF7A  }
0x23: {  	s9 =	sor.u32 $0xD0000000, s2;
	s6 =	simm.s32 $0x108;
	_ =	swait.ge @!p0 [sflag:s8], $0x0  }
0x24: {  	s3 =	sadd.s32 $0x88, s3;
	s6 =	simm.s32 @!p1 $0x1082;
	[sflag:s4] =	ssyncset.s32 $0xFFFFF086  }
0x25: {  	[simem:s6], [sflag:s4] =	dma.local [hbm:s3], $0xF7A  }
0x26: {  	[smem:$0x3F9B] =	sst s1;
	(tag) =	ssettag s2;
	_ =	strace s9  }
0x27: {  	s1 =	sld [smem:$0x3FAB]  }
0x28: {  	s2 =	sld [smem:$0x3FAC]  }
0x29: {  	s4 =	sld [smem:$0x3FAE]  }
0x2a: {  	p0 =	seq.s32 s5, $0x0;
	s5 =	sld [smem:$0x3FAF]  }
0x2b: {  	s6 =	sld [smem:$0x3FB0]  }
0x2c: {  	s7 =	sld [smem:$0x3FB1]  }
0x2d: {  	s3 =	simm.s32 $0x108;
	s8 =	sld [smem:$0x3FB2]  }
0x2e: {  	s3 =	simm.s32 @!p0 $0x1082;
	s9 =	sld [smem:$0x3FB3]  }
0x2f: {  	lr =	sadd.s32 s0, s3;
	s0 =	sld [smem:$0x3FAA]  }
0x30: {  	s3 =	sld [smem:$0x3FAD]  }
0x31: {  	[smem:$0x3FB6] =	sst s10  }
0x32: {  	s10 =	sld [smem:$0x3FB4];
	_ =	sdelay $0x3  }
0x33: {  	p0 =	seq.s32 s10, $0x1;
	s10 =	sld [smem:$0x3FB6];
	_ =	sdelay $0x3  }
0x34: {  	[smem:$0x3FB6] =	sst s10  }
0x35: {  	s10 =	sld [smem:$0x3FB5];
	_ =	sdelay $0x3  }
0x36: {  	p1 =	seq.s32 s10, $0x1;
	s10 =	sld [smem:$0x3FB6];
	_ =	sdelay $0x3  }
0x37: {  	[smem:$0x3FB6] =	sst s10  }
0x38: {  	s10 =	sld [smem:$0x3FB7]  }
0x39: {  	_ = 	snop;
	(pc) =	sbr.ind lr, $3  }
0x3a: {  	_ = 	snop  }
0x3b: {  	_ = 	snop  }
0x3c: {  	p2 =	seq.s32 s10, $0x1;
	s10 =	sld [smem:$0x3FB6]  }
0x3d: {  	_ =	shalt  }
0x3e: {  	_ =	shalt  }
0x3f: {  	_ =	shalt  }
0x40: {  	_ =	shalt  }
0x41: {  	_ =	shalt  }
0x42: {  	_ =	shalt  }
0x43: {  	_ =	shalt  }
0x44: {  	_ =	shalt  }
0x45: {  	_ =	shalt  }
0x46: {  	_ =	shalt  }
0x47: {  	_ =	shalt  }
0x48: {  	_ =	shalt  }
0x49: {  	_ =	shalt  }
0x4a: {  	_ =	shalt  }
0x4b: {  	_ =	shalt  }
0x4c: {  	_ =	shalt  }
0x4d: {  	_ =	shalt  }
0x4e: {  	_ =	shalt  }
0x4f: {  	_ =	shalt  }
0x50: {  	_ =	shalt  }
0x51: {  	_ =	shalt  }
0x52: {  	_ =	shalt  }
0x53: {  	_ =	shalt  }
0x54: {  	_ =	shalt  }
0x55: {  	_ =	shalt  }
0x56: {  	_ =	shalt  }
0x57: {  	_ =	shalt  }
0x58: {  	_ =	shalt  }
0x59: {  	_ =	shalt  }
0x5a: {  	_ =	shalt  }
0x5b: {  	_ =	shalt  }
0x5c: {  	_ =	shalt  }
0x5d: {  	_ =	shalt  }
0x5e: {  	_ =	shalt  }
0x5f: {  	_ =	shalt  }
0x60: {  	_ =	shalt  }
0x61: {  	_ =	shalt  }
0x62: {  	_ =	shalt  }
0x63: {  	_ =	shalt  }
0x64: {  	_ =	shalt  }
0x65: {  	_ =	shalt  }
0x66: {  	_ =	shalt  }
0x67: {  	_ =	shalt  }
0x68: {  	_ =	shalt  }
0x69: {  	_ =	shalt  }
0x6a: {  	_ =	shalt  }
0x6b: {  	_ =	shalt  }
0x6c: {  	_ =	shalt  }
0x6d: {  	_ =	shalt  }
0x6e: {  	_ =	shalt  }
0x6f: {  	_ =	shalt  }
0x70: {  	_ =	shalt  }
0x71: {  	_ =	shalt  }
0x72: {  	_ =	shalt  }
0x73: {  	_ =	shalt  }
0x74: {  	_ =	shalt  }
0x75: {  	_ =	shalt  }
0x76: {  	_ =	shalt  }
0x77: {  	_ =	shalt  }
0x78: {  	_ =	shalt  }
0x79: {  	_ =	shalt  }
0x7a: {  	_ =	shalt  }
0x7b: {  	_ =	shalt  }
0x7c: {  	_ =	shalt  }
0x7d: {  	_ =	shalt  }
0x7e: {  	_ =	shalt  }
0x7f: {  	_ =	shalt  }
0x80: {  	_ =	shalt  }
0x81: {  	_ =	shalt  }
0x82: {  	_ =	shalt  }
0x83: {  	_ =	shalt  }
0x84: {  	_ =	shalt  }
0x85: {  	_ =	shalt  }
0x86: {  	_ =	shalt  }
0x87: {  	_ =	shalt  }
.Lfunc_end0:
.L_simem_size_0:
called_computation_lowered:
.L_overlay_start_0:
0x88: {  	s2 =	sld [smem:$0x3FD9]  }
0x89: {  	s3 =	sld [smem:$0x3FFE];
	_ =	sdelay $0x1  }
0x8a: {  	s1 =	srdreg.scid  }
0x8b: {  	s0 =	sand.u32 $0x1, s1  }
0x8c: {  	s18 =	sshll.u32 s0, $0xA;
	s2 =	sadd.s32 s3, s2  }
0x8d: {  	s2 =	sadd.s32 s2, s18  }
0x8e: {  	[smem:$0x3FC2] =	sst s2  }
0x8f: {  	_ = 	snop  }
0x90: {  	s2 =	sld [smem:$0x3FC9]  }
0x91: {  	s19 =	sld [smem:$0x3FC8]  }
0x92: {  	s4 =	sld [smem:$0x3FC7]  }
0x93: {  	s5 =	sld [smem:$0x3FC6]  }
0x94: {  	s6 =	sld [smem:$0x3FC5]  }
0x95: {  	s7 =	sld [smem:$0x3FC4]  }
0x96: {  	s8 =	sld [smem:$0x3FD0];
	(tm) =	ssettm $0x1  }
0x97: {  	s9 =	sld [smem:$0x3FFB];
	_ =	sdelay $0x3  }
0x98: {  	_ =	strace s9  }
0x99: {  	s9 =	sld [smem:$0x3FFC];
	_ =	sdelay $0x3  }
0x9a: {  	_ =	strace s9  }
0x9b: {  	s9 =	sld [smem:$0x3FFD];
	_ =	sdelay $0x3  }
0x9c: {  	_ =	strace s9  }
0x9d: {  	_ =	strace $0x8FFFFFFF  }
0x9e: {  	s20 =	sld [smem:$0x3FDB];
	_ =	sdelay $0x1  }
0x9f: {  	s10 =	simm.s32 $_scs_section_size  }
0xa0: {  	s11 =	simm.s32 $_size__tile_overlayer_lowered;
	s12 =	simm.s32 $_tile_overlayer_lowered  }
0xa1: {  	s23 =	simm.s32 $0x1BFF;
	s22 =	sshll.u32 s12, $0x1;
	s9 =	sadd.s32 s10, s20  }
0xa2: {  	s13 =	simm.s32 $0x0;
	s21 =	sshll.u32 s11, $0x1;
	s11 =	sadd.s32 s22, s9  }
0xa3: {  	[timem:s13], [sflag:s23] =	dma.local [hbm:s11], s21  }
0xa4: {  	_ =	swait.ge [sflag:s23], s21  }
0xa5: {  	s10 =	ssub.s32 $0x0, s21;
	[sflag:s23] =	ssyncset.done $0x0  }
0xa6: {  	[sflag:s23] =	ssyncadd.s32 s10;
	_ =	sdelay $0x1  }
0xa7: {  	s24 =	simm.s32 $0x1B8B  }
0xa8: {  	_ =	swait.ge [sflag:s24], $0x1  }
0xa9: {  	[sflag:s24] =	ssyncset.done $0x0  }
0xaa: {  	s25 =	simm.s32 $0x1B8E;
	[sflag:s24] =	ssyncadd.s32 $0xFFFFFFFF  }
0xab: {  	s26 =	simm.s32 $execute0_lowered;
	[smem:$0x3FD2] =	sst s25  }
0xac: {  	s10 =	sshll.u32 s26, $0x1;
	_ =	strace $0x80000046;
	[dreg:$0x1] =	wrdreg $0xFFFFFFFF  }
0xad: {  	s28 =	simm.s32 $_size_execute0_lowered;
	s9 =	sadd.s32 s9, s10;
	[dreg:$0x0] =	wrdreg $0x0  }
0xae: {  	s10 =	sshll.u32 s28, $0x1;
	[dreg:$0x2] =	wrdreg s9  }
0xaf: {  	[dreg:$0x3] =	wrdreg s10  }
0xb0: {  	[dreg:$0x4] =	wrdreg $0xC0  }
0xb1: {  	_ =	task [dreg:s13], $0x5FFFF  }
0xb2: {  	[dreg:$0x1] =	wrdreg $0xFFFFFFFF  }
0xb3: {  	[dreg:$0x0] =	wrdreg $0x60  }
0xb4: {  	[dreg:$0x2] =	wrdreg s2  }
0xb5: {  	[dreg:$0x3] =	wrdreg s19  }
0xb6: {  	[dreg:$0x4] =	wrdreg s4  }
0xb7: {  	[dreg:$0x5] =	wrdreg s5  }
0xb8: {  	[dreg:$0x6] =	wrdreg s6  }
0xb9: {  	[dreg:$0x7] =	wrdreg s7  }
0xba: {  	[dreg:$0x8] =	wrdreg s8  }
0xbb: {  	[dreg:$0x9] =	wrdreg $0x186000  }
0xbc: {  	[dreg:$0xa] =	wrdreg $0x9  }
0xbd: {  	_ =	task.clear_ibuf [dreg:s13], $0xBFFFF;
	_ =	strace $0x90000046  }
0xbe: {  	s29 =	simm.s32 $0x9;
	_ =	strace $0x80000048  }
0xbf: {  	_ =	swait.ge [sflag:s29], $0x1  }
0xc0: {  	[sflag:s29] =	ssyncadd.s32 $0xFFFFFFFF  }
0xc1: {  	_ =	strace $0x90000048  }
0xc2: {  	_ =	sfence  }
0xc3: {  	s30 =	sld [smem:$0x0];
	_ =	sdelay $0x2  }
0xc4: {  	s31 =	sshll.u32 s1, $0xD;
	s1 =	sshrl.u32 s1, $0x2  }
0xc5: {  	s3 =	sand.u32 $0x4000, s31;
	s1 =	sadd.s32 s1, s30  }
0xc6: {  	s0 =	sor.u32 s3, s0;
	s1 =	sshll.u32 s1, $0x11  }
0xc7: {  	s0 =	sor.u32 s1, s0  }
0xc8: {  	s0 =	sadd.s32 $0x8F2B, s0  }
0xc9: {  	[sflag:s0] =	ssyncadd.remote.s32 $0x1  }
0xca: {  	_ =	sfence.sel $0xFFFF  }
0xcb: {  	[dreg:$0x0] =	wrdreg $0xFFFFFFFF;
	(pc) =	sbr.abs _section_cstart, $3  }
0xcc: {  	[dreg:$0x1] =	wrdreg $0xFFFFFFFF  }
0xcd: {  	_ =	task.clear_ibuf [dreg:s13], $0x2FFFF;
	_ =	strace $0x9FFFFFFF  }
0xce: {  	(tm) =	ssettm $0x7FFFFFFF  }
0xcf: {  	_ =	shalt  }
tec
execute0_lowered:
.L_overlay_start_1:
0x0: {  	(tag) =	ssettag $0x1  }
0x1: {  	s6 =	rddreg [dreg:$0x0]  }
0x2: {  	s7 =	rddreg [dreg:$0x1]  }
0x3: {  	s8 =	rddreg [dreg:$0x2]  }
0x4: {  	s1 =	rddreg [dreg:$0x3]  }
0x5: {  	s9 =	rddreg [dreg:$0x4]  }
0x6: {  	s3 =	rddreg [dreg:$0x5]  }
0x7: {  	s10 =	rddreg [dreg:$0x6]  }
0x8: {  	s4 =	rddreg [dreg:$0x7]  }
0x9: {  	s0 =	srdreg.scid;
	s2 =	stileid.u32;
	s5 =	simm.s32 $0x0  }
0xa: {  	s0 =	sand.u32 $0x1, s0;
	s11 =	sshll.u32 s2, $0x7;
	s14 =	sshll.u32 s2, $0x6  }
0xb: {  	[smem:$0x7FF] =	sst s5;
	s12 =	sshll.u32 s0, $0x6;
	s20 =	sor.u32 $0x1C0A, s14  }
0xc: {  	_ =	strace $0x80000047;
	s11 =	sor.u32 s12, s11;
	[dreg:$0xd] =	wrdreg s20  }
0xd: {  	s6 =	sadd.s32 s6, s11;
	s29 =	rddreg [dreg:$0xd]  }
0xe: {  	s15 =	smin.u32 s14, $0x3A8;
	s7 =	sadd.s32 s7, s11;
	[dreg:$0x9] =	wrdreg s6  }
0xf: {  	s17 =	sshll.u32 s15, $0x4;
	s16 =	sadd.s32 s8, s11;
	[dreg:$0xa] =	wrdreg s7  }
0x10: {  	s18 =	sadd.s32 s9, s17;
	[dreg:$0xb] =	wrdreg s16  }
0x11: {  	s13 =	smul.u32 $0xC00, s11;
	[dreg:$0xc] =	wrdreg s18  }
0x12: {  	s25 =	sshll.u32 s15, $0x7;
	s22 =	rddreg [dreg:$0x9]  }
0x13: {  	s9 =	sadd.s32 s25, s4;
	s19 =	sshrl.u32 s13, $0x3;
	s23 =	rddreg [dreg:$0xb]  }
0x14: {  	s8 =	simm.s32 $0x400;
	s24 =	rddreg [dreg:$0xa];
	s6 =	sadd.s32 s10, s19  }
0x15: {  	[tilespmem:s5], [sflag:$0x7] =	stream.linear.gather [hbm4b:s22+s5], $0x200, $0x38;
	[tilespmem:$0x1A540] =	vst v63  }
0x16: {  	s7 =	simm.s32 $0x200;
	s26 =	rddreg [dreg:$0xc];
	s21 =	sadd.s32 $0x3000, s6  }
0x17: {  	[tilespmem:s7], [sflag:$0x8] =	stream.linear.gather [hbm4b:s24+s5], $0x200, $0x38;
	[tilespmem:$0x1A540] =	vst v63  }
0x18: {  	s9 =	sshrl.u32 s9, $0x3;
	s10 =	simm.s32 $0xA;
	[dreg:$0xe] =	wrdreg s21  }
0x19: {  	[tilespmem:s8], [sflag:$0x9] =	stream.linear.gather [hbm4b:s23+s5], $0x200, $0x38;
	[tilespmem:$0x1A540] =	vst v63  }
0x1a: {  	[spmem:s9], [sflag:s29] =	dma.local [hbm:s26], $0x400  }
0x1b: {  	_ =	swait.ge [sflag:s10], $0x400  }
0x1c: {  	[sflag:s10] =	ssyncset.done $0x0  }
0x1d: {  	s11 =	simm.s32 $0x7;
	[sflag:s10] =	ssyncadd.s32 $0xFFFFFC00  }
0x1e: {  	_ =	swait.ge [sflag:s11], $0x200  }
0x1f: {  	[sflag:s11] =	ssyncset.done $0x0  }
0x20: {  	s12 =	simm.s32 $0x100;
	s13 =	simm.s32 $0x600;
	[sflag:s11] =	ssyncadd.s32 $0xFFFFFE00  }
0x21: {  	[tilespmem:s13], [sflag:$0x1] =	stream.indirect.gather [hbm4b:s1+s12], $0x80, s5, s12, $0xb8;
	[tilespmem:$0x1A540] =	vst v63  }
0x22: {  	s14 =	simm.s32 $0x8600;
	s15 =	simm.s32 $0x1  }
0x23: {  	[tilespmem:s14], [sflag:$0x2] =	stream.indirect.gather [hbm4b:s1+s12], $0x80, s12, s12, $0xb8;
	[tilespmem:$0x1A540] =	vst v63  }
0x24: {  	_ =	swait.ge [sflag:s15], $0x8000  }
0x25: {  	[sflag:s15] =	ssyncset.done $0x0  }
0x26: {  	s17 =	simm.s32 $0x8;
	s16 =	simm.s32 $0xC00;
	[sflag:s15] =	ssyncadd.s32 $0xFFFF8000  }
0x27: {  	[hbm4b:s6+s8] =	stream.strided.scatter [tilespmem:s13], [sflag:$0x4], $0x8000, s16, s8, $0x38;
	[tilespmem:$0x1A540] =	vst v63  }
0x28: {  	_ =	swait.ge [sflag:s17], $0x200  }
0x29: {  	[sflag:s17] =	ssyncset.done $0x0  }
0x2a: {  	s18 =	simm.s32 $0x10600;
	s19 =	simm.s32 $0x2;
	[sflag:s17] =	ssyncadd.s32 $0xFFFFFE00  }
0x2b: {  	[tilespmem:s18], [sflag:$0x3] =	stream.indirect.gather [hbm4b:s3+s12], $0x80, s7, s12, $0xb8;
	[tilespmem:$0x1A540] =	vst v63  }
0x2c: {  	_ =	swait.ge [sflag:s19], $0x8000  }
0x2d: {  	[sflag:s19] =	ssyncset.done $0x0  }
0x2e: {  	s20 =	simm.s32 $0x4;
	s21 =	rddreg [dreg:$0xe];
	[sflag:s19] =	ssyncadd.s32 $0xFFFF8000  }
0x2f: {  	[hbm4b:s21+s8] =	stream.strided.scatter [tilespmem:s14], [sflag:$0x5], $0x8000, s16, s8, $0x38;
	[tilespmem:$0x1A540] =	vst v63  }
0x30: {  	_ =	swait.ge [sflag:s20], $0x8000  }
0x31: {  	[sflag:s20] =	ssyncset.done $0x0  }
0x32: {  	s2 =	simm.s32 $0x300;
	s22 =	simm.s32 $0x3;
	[sflag:s20] =	ssyncadd.s32 $0xFFFF8000  }
0x33: {  	[tilespmem:s13], [sflag:$0x1] =	stream.indirect.gather [hbm4b:s3+s12], $0x80, s2, s12, $0xb8;
	[tilespmem:$0x1A540] =	vst v63  }
0x34: {  	_ =	swait.ge [sflag:s22], $0x8000  }
0x35: {  	[sflag:s22] =	ssyncset.done $0x0  }
0x36: {  	s24 =	simm.s32 $0x5;
	s23 =	sadd.s32 $0x100, s6;
	[sflag:s22] =	ssyncadd.s32 $0xFFFF8000  }
0x37: {  	[hbm4b:s23+s8] =	stream.strided.scatter [tilespmem:s18], [sflag:$0x6], $0x8000, s16, s8, $0x38;
	[tilespmem:$0x1A540] =	vst v63  }
0x38: {  	_ =	swait.ge [sflag:s24], $0x8000  }
0x39: {  	[sflag:s24] =	ssyncset.done $0x0  }
0x3a: {  	s25 =	simm.s32 $0x9;
	[sflag:s24] =	ssyncadd.s32 $0xFFFF8000  }
0x3b: {  	_ =	swait.ge [sflag:s25], $0x200  }
0x3c: {  	[sflag:s25] =	ssyncset.done $0x0  }
0x3d: {  	[sflag:s25] =	ssyncadd.s32 $0xFFFFFE00  }
0x3e: {  	[bflag:$0x0] =	sbarrier.arrive $0xFFFF  }
0x3f: {  	[tilespmem:s14], [sflag:$0x2] =	stream.indirect.gather [spmem:s4], $0x80, s8, s12, $0xb8;
	[tilespmem:$0x1A540] =	vst v63  }
0x40: {  	_ =	swait.ge [sflag:s15], $0x8000  }
0x41: {  	[sflag:s15] =	ssyncset.done $0x0  }
0x42: {  	s28 =	sadd.s32 $0x3100, s6;
	s26 =	simm.s32 $0x6;
	[sflag:s15] =	ssyncadd.s32 $0xFFFF8000  }
0x43: {  	[hbm4b:s28+s8] =	stream.strided.scatter [tilespmem:s13], [sflag:$0x4], $0x8000, s16, s8, $0x38;
	[tilespmem:$0x1A540] =	vst v63  }
0x44: {  	_ =	swait.ge [sflag:s26], $0x8000  }
0x45: {  	[sflag:s26] =	ssyncset.done $0x0  }
0x46: {  	s21 =	simm.s32 $0x500;
	[sflag:s26] =	ssyncadd.s32 $0xFFFF8000  }
0x47: {  	[tilespmem:s18], [sflag:$0x3] =	stream.indirect.gather [spmem:s4], $0x80, s21, s12, $0xb8;
	[tilespmem:$0x1A540] =	vst v63  }
0x48: {  	_ =	swait.ge [sflag:s19], $0x8000  }
0x49: {  	[sflag:s19] =	ssyncset.done $0x0  }
0x4a: {  	s30 =	sadd.s32 $0x80, s6;
	[sflag:s19] =	ssyncadd.s32 $0xFFFF8000  }
0x4b: {  	[hbm4b:s30+s8] =	stream.strided.scatter [tilespmem:s14], [sflag:$0x5], $0x8000, s16, s8, $0x38;
	[tilespmem:$0x1A540] =	vst v63  }
0x4c: {  	s0 =	ssub.s32 $0x2, s0;
	_ =	swait.ge [sflag:s22], $0x8000  }
0x4d: {  	s29 =	sshrl.u32 s0, $0x1;
	[sflag:s22] =	ssyncset.done $0x0  }
0x4e: {  	s31 =	sadd.s32 $0x3080, s6;
	s0 =	ssub.s32 s0, s29;
	[sflag:s22] =	ssyncadd.s32 $0xFFFF8000  }
0x4f: {  	[hbm4b:s31+s8] =	stream.strided.scatter [tilespmem:s18], [sflag:$0x6], $0x8000, s16, s8, $0x38;
	[tilespmem:$0x1A540] =	vst v63  }
0x50: {  	s0 =	smax.u32 s0, $0x1;
	_ =	swait.ge [sflag:s20], $0x8000  }
0x51: {  	p0 =	sne.s32 s0, $0x1;
	[sflag:s20] =	ssyncset.done $0x0  }
.Ltmp0:
0x52: {  	[sflag:s20] =	ssyncadd.s32 $0xFFFF8000;
	(pc) =	sbr.rel @!p0 .LBB2_2-.Ltmp0, $4  }
0x53: {  	_ =	swait.ge [sflag:s24], $0x8000  }
0x54: {  	[sflag:s24] =	ssyncset.done $0x0  }
0x55: {  	[sflag:s24] =	ssyncadd.s32 $0xFFFF8000  }
0x56: {  	s0 =	sadd.s32 $0xFFFFFFFF, s0;
	_ =	swait.ge [sflag:s26], $0x8000  }
.LBB2_1:
0x57: {  	s2 =	rddreg [dreg:$0x9]  }
0x58: {  	s21 =	rddreg [dreg:$0xb];
	[sflag:s26] =	ssyncset.done $0x0  }
0x59: {  	s29 =	rddreg [dreg:$0xa];
	[sflag:s26] =	ssyncadd.s32 $0xFFFF8000  }
0x5a: {  	[tilespmem:s5], [sflag:$0x7] =	stream.linear.gather [hbm4b:s2+s5], $0x200, $0x38;
	[tilespmem:$0x1A540] =	vst v63  }
0x5b: {  	s1 =	rddreg [dreg:$0xc]  }
0x5c: {  	[tilespmem:s7], [sflag:$0x8] =	stream.linear.gather [hbm4b:s29+s5], $0x200, $0x38;
	[tilespmem:$0x1A540] =	vst v63  }
0x5d: {  	s2 =	rddreg [dreg:$0xd]  }
0x5e: {  	[tilespmem:s8], [sflag:$0x9] =	stream.linear.gather [hbm4b:s21+s5], $0x200, $0x38;
	[tilespmem:$0x1A540] =	vst v63  }
0x5f: {  	[spmem:s9], [sflag:s2] =	dma.local [hbm:s1], $0x400  }
0x60: {  	_ =	swait.ge [sflag:s10], $0x400  }
0x61: {  	[sflag:s10] =	ssyncset.done $0x0  }
0x62: {  	[sflag:s10] =	ssyncadd.s32 $0xFFFFFC00  }
0x63: {  	_ =	swait.ge [sflag:s11], $0x200  }
0x64: {  	[sflag:s11] =	ssyncset.done $0x0  }
0x65: {  	[sflag:s11] =	ssyncadd.s32 $0xFFFFFE00  }
0x66: {  	s29 =	rddreg [dreg:$0x3]  }
0x67: {  	[tilespmem:s13], [sflag:$0x1] =	stream.indirect.gather [hbm4b:s29+s12], $0x80, s5, s12, $0xb8;
	[tilespmem:$0x1A540] =	vst v63  }
0x68: {  	_ = 	snop  }
0x69: {  	[tilespmem:s14], [sflag:$0x2] =	stream.indirect.gather [hbm4b:s29+s12], $0x80, s12, s12, $0xb8;
	[tilespmem:$0x1A540] =	vst v63  }
0x6a: {  	_ =	swait.ge [sflag:s15], $0x8000  }
0x6b: {  	[sflag:s15] =	ssyncset.done $0x0  }
0x6c: {  	[sflag:s15] =	ssyncadd.s32 $0xFFFF8000  }
0x6d: {  	[hbm4b:s6+s8] =	stream.strided.scatter [tilespmem:s13], [sflag:$0x4], $0x8000, s16, s8, $0x38;
	[tilespmem:$0x1A540] =	vst v63  }
0x6e: {  	_ =	swait.ge [sflag:s17], $0x200  }
0x6f: {  	[sflag:s17] =	ssyncset.done $0x0  }
0x70: {  	[sflag:s17] =	ssyncadd.s32 $0xFFFFFE00  }
0x71: {  	[tilespmem:s18], [sflag:$0x3] =	stream.indirect.gather [hbm4b:s3+s12], $0x80, s7, s12, $0xb8;
	[tilespmem:$0x1A540] =	vst v63  }
0x72: {  	_ =	swait.ge [sflag:s19], $0x8000  }
0x73: {  	[sflag:s19] =	ssyncset.done $0x0  }
0x74: {  	s2 =	rddreg [dreg:$0xe];
	[sflag:s19] =	ssyncadd.s32 $0xFFFF8000  }
0x75: {  	[hbm4b:s2+s8] =	stream.strided.scatter [tilespmem:s14], [sflag:$0x5], $0x8000, s16, s8, $0x38;
	[tilespmem:$0x1A540] =	vst v63  }
0x76: {  	_ =	swait.ge [sflag:s20], $0x8000  }
0x77: {  	[sflag:s20] =	ssyncset.done $0x0  }
0x78: {  	s21 =	simm.s32 $0x300;
	[sflag:s20] =	ssyncadd.s32 $0xFFFF8000  }
0x79: {  	[tilespmem:s13], [sflag:$0x1] =	stream.indirect.gather [hbm4b:s3+s12], $0x80, s21, s12, $0xb8;
	[tilespmem:$0x1A540] =	vst v63  }
0x7a: {  	_ =	swait.ge [sflag:s22], $0x8000  }
0x7b: {  	[sflag:s22] =	ssyncset.done $0x0  }
0x7c: {  	[sflag:s22] =	ssyncadd.s32 $0xFFFF8000  }
0x7d: {  	[hbm4b:s23+s8] =	stream.strided.scatter [tilespmem:s18], [sflag:$0x6], $0x8000, s16, s8, $0x38;
	[tilespmem:$0x1A540] =	vst v63  }
0x7e: {  	_ =	swait.ge [sflag:s24], $0x8000  }
0x7f: {  	[sflag:s24] =	ssyncset.done $0x0  }
0x80: {  	[sflag:s24] =	ssyncadd.s32 $0xFFFF8000  }
0x81: {  	_ =	swait.ge [sflag:s25], $0x200  }
0x82: {  	[sflag:s25] =	ssyncset.done $0x0  }
0x83: {  	[sflag:s25] =	ssyncadd.s32 $0xFFFFFE00  }
0x84: {  	[bflag:$0x0] =	sbarrier.arrive $0xFFFF  }
0x85: {  	[tilespmem:s14], [sflag:$0x2] =	stream.indirect.gather [spmem:s4], $0x80, s8, s12, $0xb8;
	[tilespmem:$0x1A540] =	vst v63  }
0x86: {  	_ =	swait.ge [sflag:s15], $0x8000  }
0x87: {  	[sflag:s15] =	ssyncset.done $0x0  }
0x88: {  	[sflag:s15] =	ssyncadd.s32 $0xFFFF8000  }
0x89: {  	[hbm4b:s28+s8] =	stream.strided.scatter [tilespmem:s13], [sflag:$0x4], $0x8000, s16, s8, $0x38;
	[tilespmem:$0x1A540] =	vst v63  }
0x8a: {  	_ =	swait.ge [sflag:s26], $0x8000  }
0x8b: {  	[sflag:s26] =	ssyncset.done $0x0  }
0x8c: {  	s29 =	simm.s32 $0x500;
	[sflag:s26] =	ssyncadd.s32 $0xFFFF8000  }
0x8d: {  	[tilespmem:s18], [sflag:$0x3] =	stream.indirect.gather [spmem:s4], $0x80, s29, s12, $0xb8;
	[tilespmem:$0x1A540] =	vst v63  }
0x8e: {  	_ =	swait.ge [sflag:s19], $0x8000  }
0x8f: {  	[sflag:s19] =	ssyncset.done $0x0  }
0x90: {  	[sflag:s19] =	ssyncadd.s32 $0xFFFF8000  }
0x91: {  	[hbm4b:s30+s8] =	stream.strided.scatter [tilespmem:s14], [sflag:$0x5], $0x8000, s16, s8, $0x38;
	[tilespmem:$0x1A540] =	vst v63  }
0x92: {  	_ =	swait.ge [sflag:s22], $0x8000  }
0x93: {  	[sflag:s22] =	ssyncset.done $0x0  }
0x94: {  	[sflag:s22] =	ssyncadd.s32 $0xFFFF8000  }
0x95: {  	[hbm4b:s31+s8] =	stream.strided.scatter [tilespmem:s18], [sflag:$0x6], $0x8000, s16, s8, $0x38;
	[tilespmem:$0x1A540] =	vst v63  }
0x96: {  	_ =	swait.ge [sflag:s20], $0x8000  }
0x97: {  	p0 =	sne.s32 s0, $0x1;
	[sflag:s20] =	ssyncset.done $0x0  }
.Ltmp1:
0x98: {  	[sflag:s20] =	ssyncadd.s32 $0xFFFF8000;
	(pc) =	sbr.rel @p0 .LBB2_1-.Ltmp1, $4  }
0x99: {  	_ =	swait.ge [sflag:s24], $0x8000  }
0x9a: {  	[sflag:s24] =	ssyncset.done $0x0  }
0x9b: {  	[sflag:s24] =	ssyncadd.s32 $0xFFFF8000  }
0x9c: {  	s0 =	sadd.s32 $0xFFFFFFFF, s0;
	_ =	swait.ge [sflag:s26], $0x8000  }
.LBB2_2:
0x9d: {  	[sflag:s26] =	ssyncset.done $0x0  }
0x9e: {  	[sflag:s26] =	ssyncadd.s32 $0xFFFF8000  }
0x9f: {  	_ =	sfence.sel $0x180000  }
0xa0: {  	[bflag:$0x0] =	sbarrier.arrive $0xFFFF  }
0xa1: {  	_ =	strace $0x90000047  }
0xa2: {  	s0 =	stileid.u32;
	[bflag:$0x2] =	sbarrier.arrive $0xFFFF  }
0xa3: {  	p0 =	sne.s32 s0, $0x0;
	s0 =	rddreg [dreg:$0x8]  }
0xa4: {  	s0 =	sadd.s32 @!p0 $0x100000, s0  }
0xa5: {  	[sflag:s0] =	ssyncadd.tile.s32 @!p0 $0x1;
	_ =	shalt  }
.Lfunc_end2:
_tile_overlayer_lowered:
.L_overlay_start_2:
0xa6: {  	(tag) =	ssettag $0x2  }
0xa7: {  	s0 =	rddreg [dreg:$0x0];
	s2 =	stileid.u32  }
0xa8: {  	s1 =	rddreg [dreg:$0x1];
	p0 =	sne.s32 s2, $0x0  }
0xa9: {  	s3 =	rddreg [dreg:$0x2];
	[bflag:$0x3] =	sbarrier.arrive $0xFFFF;
	s2 =	simm.s32 @!p0 $0x1C0A  }
0xaa: {  	[timem:s3], [sflag:s2] =	dma.local @!p0 [hbm:s0], s1  }
0xab: {  	s0 =	simm.s32 @!p0 $0xA  }
0xac: {  	_ =	swait.ge @!p0 [sflag:s0], s1  }
0xad: {  	s1 =	ssub.s32 @!p0 $0x0, s1;
	[sflag:s0] =	ssyncset.done @!p0 $0x0  }
0xae: {  	[sflag:s0] =	ssyncadd.s32 @!p0 s1  }
0xaf: {  	[bflag:$0x3] =	sbarrier.arrive $0xFFFF  }
0xb0: {  	_ =	shalt  }

</sc_bundles>
